<compile_context>
chip_gen: v7x
topology: tpu7x:2x2x1
jax: 0.10.2.dev20260603
libtpu: 0.0.44.dev20260713+nightly
codegen_flags: <defaults>
</compile_context>

<pallas_src>
import functools

import jax
import jax.numpy as jnp
from jax import lax
from jax.experimental import pallas as pl
from jax.experimental.pallas import tpu as pltpu
from jax.experimental.pallas import tpu_sc as plsc

_NUM_EXPERTS = 8
_N_TOK = 32768
_D_IN = 768
_D_OUT = 128
_CAPACITY = _N_TOK * 2 // _NUM_EXPERTS

_LOGIT_BLK = 4096
_MOE_BLK = 2048

_N_TILES = 16
_TOK_PER_TILE = _N_TOK // _N_TILES
_GROUPS = _TOK_PER_TILE // 16

_EPS_CACHE = []


def _gating_eps_t():
    if not _EPS_CACHE:
        _EPS_CACHE.append(jax.random.normal(
            jax.random.key(42), (_N_TOK, _NUM_EXPERTS),
            dtype=jnp.float32).T)
    return _EPS_CACHE[0]


def _logits_kernel(x_ref, wgn_ref, eps_ref, noisy_ref):
    logits2 = jnp.dot(x_ref[...], wgn_ref[...],
                      preferred_element_type=jnp.float32)
    lt = logits2.T
    clean = lt[:_NUM_EXPERTS, :]
    raw = lt[_NUM_EXPERTS:, :]
    std = (jnp.maximum(raw, 0.0)
           + jnp.log1p(jnp.exp(-jnp.abs(raw))) + 1e-2)
    noisy_ref[...] = clean + eps_ref[...] * std


def _routing_body(noisy_hbm, gates_hbm, cnt_hbm, chunk, outbuf, g1b, g2b,
                  i1b, i2b, cntb, allcnt):
    wid = lax.axis_index("s")
    base = wid * _TOK_PER_TILE
    pltpu.sync_copy(noisy_hbm.at[:, pl.ds(base, _TOK_PER_TILE)], chunk)
    lanes = jnp.arange(16, dtype=jnp.int32)
    neg_inf = jnp.full((16,), -jnp.inf, dtype=jnp.float32)

    def pass_a(t, accs):
        sl = pl.ds(t * 16, 16)
        vs = [chunk[e, sl] for e in range(_NUM_EXPERTS)]
        m1 = vs[0]
        for e in range(1, _NUM_EXPERTS):
            m1 = jnp.maximum(m1, vs[e])
        i1 = jnp.full((16,), _NUM_EXPERTS, jnp.int32)
        for e in reversed(range(_NUM_EXPERTS)):
            i1 = jnp.where(vs[e] == m1, jnp.int32(e), i1)
        masked = [jnp.where(i1 == e, neg_inf, vs[e])
                  for e in range(_NUM_EXPERTS)]
        m2 = masked[0]
        for e in range(1, _NUM_EXPERTS):
            m2 = jnp.maximum(m2, masked[e])
        i2 = jnp.full((16,), _NUM_EXPERTS, jnp.int32)
        for e in reversed(range(_NUM_EXPERTS)):
            i2 = jnp.where(masked[e] == m2, jnp.int32(e), i2)
        e2 = jnp.exp(m2 - m1)
        denom = 1.0 + e2
        g1 = 1.0 / denom
        g2 = e2 / denom
        g1b[sl] = g1
        g2b[sl] = g2
        i1b[sl] = i1
        i2b[sl] = i2
        g2pos = g2 > 0.0
        out = []
        for e in range(_NUM_EXPERTS):
            mask_e = (i1 == e) | ((i2 == e) & g2pos)
            out.append(accs[e] + mask_e.astype(jnp.int32))
        return tuple(out)

    accs = lax.fori_loop(
        0, _GROUPS, pass_a,
        tuple(jnp.zeros((16,), jnp.int32) for _ in range(_NUM_EXPERTS)))

    cnt_vec = jnp.zeros((16,), jnp.int32)
    for e in range(_NUM_EXPERTS):
        c_e = jnp.sum(accs[e])
        cnt_vec = cnt_vec + jnp.where(lanes == e, c_e, 0)
    cntb[...] = cnt_vec
    pltpu.sync_copy(cntb, cnt_hbm.at[wid])
    plsc.subcore_barrier()

    pltpu.sync_copy(cnt_hbm, allcnt)
    prefix = jnp.zeros((16,), jnp.int32)
    for w in range(_N_TILES):
        row = allcnt[w, :]
        prefix = prefix + jnp.where(w < wid, row, 0)

    def pass_b(t, rcs):
        sl = pl.ds(t * 16, 16)
        g1 = g1b[sl]
        g2 = g2b[sl]
        i1 = i1b[sl]
        i2 = i2b[sl]
        g2pos = g2 > 0.0
        out = []
        for e in range(_NUM_EXPERTS):
            mask_e = (i1 == e) | ((i2 == e) & g2pos)
            mi = mask_e.astype(jnp.int32)
            scan = plsc.cumsum(mi)
            pos = scan + rcs[e]
            keep = mask_e & (pos <= _CAPACITY)
            ge = (jnp.where(i1 == e, g1, 0.0)
                  + jnp.where(i2 == e, g2, 0.0))
            outbuf[e, sl] = jnp.where(keep, ge, 0.0)
            out.append(rcs[e] + jnp.sum(mi))
        return tuple(out)

    lax.fori_loop(0, _GROUPS, pass_b,
                  tuple(prefix[e] for e in range(_NUM_EXPERTS)))
    pltpu.sync_copy(outbuf, gates_hbm.at[:, pl.ds(base, _TOK_PER_TILE)])


_routing_sc = functools.partial(
    pl.kernel,
    out_type=(jax.ShapeDtypeStruct((_NUM_EXPERTS, _N_TOK), jnp.float32),
              jax.ShapeDtypeStruct((_N_TILES, 16), jnp.int32)),
    mesh=plsc.VectorSubcoreMesh(core_axis_name="c", subcore_axis_name="s",
                                num_cores=1),
    scratch_types=[
        pltpu.VMEM((_NUM_EXPERTS, _TOK_PER_TILE), jnp.float32),
        pltpu.VMEM((_NUM_EXPERTS, _TOK_PER_TILE), jnp.float32),
        pltpu.VMEM((_TOK_PER_TILE,), jnp.float32),
        pltpu.VMEM((_TOK_PER_TILE,), jnp.float32),
        pltpu.VMEM((_TOK_PER_TILE,), jnp.int32),
        pltpu.VMEM((_TOK_PER_TILE,), jnp.int32),
        pltpu.VMEM((16,), jnp.int32),
        pltpu.VMEM((_N_TILES, 16), jnp.int32),
    ],
    compiler_params=pltpu.CompilerParams(needs_layout_passes=False),
)(_routing_body)


def _moe_kernel(x_ref, gates_ref, w_ref, b_ref, out_ref):
    xb = x_ref[...].astype(jnp.bfloat16)
    y = jnp.dot(xb, w_ref[...], preferred_element_type=jnp.float32)
    g = gates_ref[...].T
    acc = jnp.dot(g, b_ref[...], preferred_element_type=jnp.float32)
    for e in range(_NUM_EXPERTS):
        acc = acc + y[:, e * _D_OUT:(e + 1) * _D_OUT] * g[:, e:e + 1]
    out_ref[...] = acc


@jax.jit
def kernel(x, W_gate, W_noise, W_experts, b_experts):
    wgn = jnp.concatenate([W_gate, W_noise], axis=1)
    eps_t = _gating_eps_t()

    noisy_t = pl.pallas_call(
        _logits_kernel,
        grid=(_N_TOK // _LOGIT_BLK,),
        in_specs=[
            pl.BlockSpec((_LOGIT_BLK, _D_IN), lambda b: (b, 0)),
            pl.BlockSpec((_D_IN, 2 * _NUM_EXPERTS), lambda b: (0, 0)),
            pl.BlockSpec((_NUM_EXPERTS, _LOGIT_BLK), lambda b: (0, b)),
        ],
        out_specs=pl.BlockSpec((_NUM_EXPERTS, _LOGIT_BLK), lambda b: (0, b)),
        out_shape=jax.ShapeDtypeStruct((_NUM_EXPERTS, _N_TOK), jnp.float32),
        compiler_params=pltpu.CompilerParams(
            dimension_semantics=("parallel",)),
    )(x, wgn, eps_t)

    gates_t, _ = _routing_sc(noisy_t)

    w_all = jnp.transpose(W_experts, (1, 0, 2)).reshape(
        _D_IN, _NUM_EXPERTS * _D_OUT).astype(jnp.bfloat16)

    out = pl.pallas_call(
        _moe_kernel,
        grid=(_N_TOK // _MOE_BLK,),
        in_specs=[
            pl.BlockSpec((_MOE_BLK, _D_IN), lambda b: (b, 0)),
            pl.BlockSpec((_NUM_EXPERTS, _MOE_BLK), lambda b: (0, b)),
            pl.BlockSpec((_D_IN, _NUM_EXPERTS * _D_OUT), lambda b: (0, 0)),
            pl.BlockSpec((_NUM_EXPERTS, _D_OUT), lambda b: (0, 0)),
        ],
        out_specs=pl.BlockSpec((_MOE_BLK, _D_OUT), lambda b: (b, 0)),
        out_shape=jax.ShapeDtypeStruct((_N_TOK, _D_OUT), jnp.float32),
        compiler_params=pltpu.CompilerParams(
            dimension_semantics=("parallel",)),
    )(x, gates_t, w_all, b_experts)
    return out

# --- scband reference (transcript-rebuilt; emitter-appended) ---
"""Pipeline reference for scband-linear-extractor-cluster-1142461300768 (READ-ONLY COPY).

The authoritative reference and input builder live on the scoring server;
editing this copy changes nothing except your own understanding.
"""

import jax, jax.numpy as jnp
import numpy as np

NUM_EXPERTS = 8
TOP_K = 2
N_TOK = 32768
D_IN = 768
D_OUT = 128
CAPACITY = int(1.0 * N_TOK * TOP_K / NUM_EXPERTS)  # 8192


def setup_inputs(seed: int = 0) -> dict:
    key = jax.random.key(seed)
    ks = jax.random.split(key, 5)
    x = jax.random.normal(ks[0], (N_TOK, D_IN), dtype=jnp.float32)
    W_gate = jax.random.normal(ks[1], (D_IN, NUM_EXPERTS), dtype=jnp.float32) * 0.02
    W_noise = jax.random.normal(ks[2], (D_IN, NUM_EXPERTS), dtype=jnp.float32) * 0.02
    W_experts = jax.random.normal(ks[3], (NUM_EXPERTS, D_IN, D_OUT), dtype=jnp.float32) * 0.02
    b_experts = jnp.zeros((NUM_EXPERTS, D_OUT), dtype=jnp.float32)
    return {"x": x, "W_gate": W_gate, "W_noise": W_noise,
            "W_experts": W_experts, "b_experts": b_experts}


def _noisy_topk_gates(x, W_gate, W_noise):
    # noisy top-k gating (train mode): logits + softplus-scaled gaussian noise
    clean_logits = x @ W_gate
    raw_noise = x @ W_noise
    noise_stddev = jax.nn.softplus(raw_noise) + 1e-2
    eps = jax.random.normal(jax.random.key(42), clean_logits.shape, dtype=clean_logits.dtype)
    noisy_logits = clean_logits + eps * noise_stddev
    top_vals, top_idx = jax.lax.top_k(noisy_logits, TOP_K)
    top_gates = jax.nn.softmax(top_vals, axis=-1)
    n = x.shape[0]
    gates = jnp.zeros((n, NUM_EXPERTS), dtype=x.dtype)
    gates = gates.at[jnp.arange(n)[:, None], top_idx].set(top_gates)
    # capacity truncation per expert, in batch order (matches SparseDispatcher mask loop)
    mask = gates > 0
    pos = jnp.cumsum(mask.astype(jnp.int32), axis=0)
    keep = mask & (pos <= CAPACITY)
    gates = gates * keep.astype(gates.dtype)
    return gates, keep


def reference(x, W_gate, W_noise, W_experts, b_experts):
    gates, keep = _noisy_topk_gates(x, W_gate, W_noise)
    n = x.shape[0]
    out = jnp.zeros((n, D_OUT), dtype=jnp.float32)
    for e in range(NUM_EXPERTS):
        # dispatch: gather the (<= CAPACITY) tokens routed to expert e, in batch order
        order = jnp.argsort(jnp.where(keep[:, e], 0, 1))[:CAPACITY]
        xe = jnp.take(x, order, axis=0)
        # expert: 1-layer feed-forward
        oe = xe @ W_experts[e] + b_experts[e]
        # combine: weight by gate value (0 for padded / dropped slots) and scatter-add
        ge = jnp.take(gates[:, e], order)
        oe = oe * ge[:, None]
        out = out.at[order].add(oe)
    return out

if __name__ == "__main__":
    import jax
    _d = setup_inputs()
    print(jax.jit(kernel)(*tuple(_d.values())))

</pallas_src>

<mosaic_0001>
#map = affine_map<(d0, d1) -> (0, 0)>
module attributes {stable_mosaic.version = 14 : i64} {
  func.func @_routing_body(%arg0: i32, %arg1: i32, %arg2: memref<8x32768xf32, #tpu.memory_space<hbm>>, %arg3: memref<8x32768xf32, #tpu.memory_space<hbm>>, %arg4: memref<16x16xi32, #tpu.memory_space<hbm>>, %arg5: memref<8x2048xf32, #tpu.memory_space<vmem>>, %arg6: memref<8x2048xf32, #tpu.memory_space<vmem>>, %arg7: memref<2048xf32, #tpu.memory_space<vmem>>, %arg8: memref<2048xf32, #tpu.memory_space<vmem>>, %arg9: memref<2048xi32, #tpu.memory_space<vmem>>, %arg10: memref<2048xi32, #tpu.memory_space<vmem>>, %arg11: memref<16xi32, #tpu.memory_space<vmem>>, %arg12: memref<16x16xi32, #tpu.memory_space<vmem>>) attributes {dimension_semantics = [#tpu.dimension_semantics<core_parallel>, #tpu.dimension_semantics<subcore_parallel>], iteration_bounds = array<i64: 1, 16>, scalar_prefetch = 0 : i64, scratch_operands = 8 : i64, tpu.core_type = #tpu.core_type<sc_vector_subcore>, window_params = [{transform_indices = #map}, {transform_indices = #map}, {transform_indices = #map}]} {
    %mul3A = arith.constant 2048 : i32
    %mul3A_0 = arith.muli %arg1, %mul3A : i32
    "tpu.region"() ({
      %run_scoped3A = tpu.sem_alloc : memref<!tpu.dma_semaphore, #tpu.memory_space<semaphore_mem>>
      %dma_start3A = arith.constant 0 : i32
      %dma_start3A_297 = tpu.memref_slice %arg2[%dma_start3A, %mul3A_0] : memref<8x32768xf32, #tpu.memory_space<hbm>> -> memref<8x2048xf32, #tpu.memory_space<hbm>>
      %dma_start3A_298 = arith.constant 0 : i32
      %dma_start3A_299 = tpu.memref_slice %arg2[%dma_start3A_298, %mul3A_0] : memref<8x32768xf32, #tpu.memory_space<hbm>> -> memref<8x2048xf32, #tpu.memory_space<hbm>>
      tpu.enqueue_dma source(%dma_start3A_299 : memref<8x2048xf32, #tpu.memory_space<hbm>>) target(%arg5 : memref<8x2048xf32, #tpu.memory_space<vmem>>) target_semaphore(%run_scoped3A : memref<!tpu.dma_semaphore, #tpu.memory_space<semaphore_mem>>)
      %dma_wait3A = arith.constant 0 : i32
      %dma_wait3A_300 = tpu.memref_slice %arg2[%dma_wait3A, %mul3A_0] : memref<8x32768xf32, #tpu.memory_space<hbm>> -> memref<8x2048xf32, #tpu.memory_space<hbm>>
      %dma_wait3A_301 = arith.constant 0 : i32
      %dma_wait3A_302 = tpu.memref_slice %arg2[%dma_wait3A_301, %mul3A_0] : memref<8x32768xf32, #tpu.memory_space<hbm>> -> memref<8x2048xf32, #tpu.memory_space<hbm>>
      tpu.wait_dma2 semaphore(%run_scoped3A : memref<!tpu.dma_semaphore, #tpu.memory_space<semaphore_mem>>) src(%dma_wait3A_302 : memref<8x2048xf32, #tpu.memory_space<hbm>>) dst(%arg5 : memref<8x2048xf32, #tpu.memory_space<vmem>>)
      tpu.yield
    }) : () -> ()
    %iota3A = tpu.iota {dimensions = array<i32: 0>} : vector<16xi32>
    %broadcast_in_dim3A = arith.constant 0xFF800000 : f32
    %broadcast_in_dim3A_1 = vector.broadcast %broadcast_in_dim3A : f32 to vector<16xf32>
    %broadcast_in_dim3A_2 = arith.constant 0 : i32
    %broadcast_in_dim3A_3 = vector.broadcast %broadcast_in_dim3A_2 : i32 to vector<16xi32>
    %broadcast_in_dim3A_4 = arith.constant 0 : i32
    %broadcast_in_dim3A_5 = vector.broadcast %broadcast_in_dim3A_4 : i32 to vector<16xi32>
    %broadcast_in_dim3A_6 = arith.constant 0 : i32
    %broadcast_in_dim3A_7 = vector.broadcast %broadcast_in_dim3A_6 : i32 to vector<16xi32>
    %broadcast_in_dim3A_8 = arith.constant 0 : i32
    %broadcast_in_dim3A_9 = vector.broadcast %broadcast_in_dim3A_8 : i32 to vector<16xi32>
    %broadcast_in_dim3A_10 = arith.constant 0 : i32
    %broadcast_in_dim3A_11 = vector.broadcast %broadcast_in_dim3A_10 : i32 to vector<16xi32>
    %broadcast_in_dim3A_12 = arith.constant 0 : i32
    %broadcast_in_dim3A_13 = vector.broadcast %broadcast_in_dim3A_12 : i32 to vector<16xi32>
    %broadcast_in_dim3A_14 = arith.constant 0 : i32
    %broadcast_in_dim3A_15 = vector.broadcast %broadcast_in_dim3A_14 : i32 to vector<16xi32>
    %broadcast_in_dim3A_16 = arith.constant 0 : i32
    %broadcast_in_dim3A_17 = vector.broadcast %broadcast_in_dim3A_16 : i32 to vector<16xi32>
    %scan3A = arith.constant 0 : i32
    %scan3A_18 = arith.constant 128 : i32
    %scan3A_19 = arith.addi %scan3A, %scan3A_18 : i32
    %scan3A_20 = arith.constant 1 : i32
    %scan3A_21:8 = scf.for %scan3A_297 = %scan3A to %scan3A_19 step %scan3A_20 iter_args(%scan3A_298 = %broadcast_in_dim3A_3, %scan3A_299 = %broadcast_in_dim3A_5, %scan3A_300 = %broadcast_in_dim3A_7, %scan3A_301 = %broadcast_in_dim3A_9, %scan3A_302 = %broadcast_in_dim3A_11, %scan3A_303 = %broadcast_in_dim3A_13, %scan3A_304 = %broadcast_in_dim3A_15, %scan3A_305 = %broadcast_in_dim3A_17) -> (vector<16xi32>, vector<16xi32>, vector<16xi32>, vector<16xi32>, vector<16xi32>, vector<16xi32>, vector<16xi32>, vector<16xi32>)  : i32 {
      %mul3A_306 = arith.constant 16 : i32
      %mul3A_307 = arith.muli %scan3A_297, %mul3A_306 : i32
      %get3A_308 = arith.constant 0 : i32
      %get3A_309 = arith.index_cast %get3A_308 : i32 to index
      %get3A_310 = arith.index_cast %mul3A_307 : i32 to index
      %get3A_311 = tpu.vector_load %arg5[%get3A_309, %get3A_310] {strides = array<i32>} : memref<8x2048xf32, #tpu.memory_space<vmem>>, vector<16xf32>,
      %get3A_312 = arith.constant 1 : i32
      %get3A_313 = arith.index_cast %get3A_312 : i32 to index
      %get3A_314 = arith.index_cast %mul3A_307 : i32 to index
      %get3A_315 = tpu.vector_load %arg5[%get3A_313, %get3A_314] {strides = array<i32>} : memref<8x2048xf32, #tpu.memory_space<vmem>>, vector<16xf32>,
      %get3A_316 = arith.constant 2 : i32
      %get3A_317 = arith.index_cast %get3A_316 : i32 to index
      %get3A_318 = arith.index_cast %mul3A_307 : i32 to index
      %get3A_319 = tpu.vector_load %arg5[%get3A_317, %get3A_318] {strides = array<i32>} : memref<8x2048xf32, #tpu.memory_space<vmem>>, vector<16xf32>,
      %get3A_320 = arith.constant 3 : i32
      %get3A_321 = arith.index_cast %get3A_320 : i32 to index
      %get3A_322 = arith.index_cast %mul3A_307 : i32 to index
      %get3A_323 = tpu.vector_load %arg5[%get3A_321, %get3A_322] {strides = array<i32>} : memref<8x2048xf32, #tpu.memory_space<vmem>>, vector<16xf32>,
      %get3A_324 = arith.constant 4 : i32
      %get3A_325 = arith.index_cast %get3A_324 : i32 to index
      %get3A_326 = arith.index_cast %mul3A_307 : i32 to index
      %get3A_327 = tpu.vector_load %arg5[%get3A_325, %get3A_326] {strides = array<i32>} : memref<8x2048xf32, #tpu.memory_space<vmem>>, vector<16xf32>,
      %get3A_328 = arith.constant 5 : i32
      %get3A_329 = arith.index_cast %get3A_328 : i32 to index
      %get3A_330 = arith.index_cast %mul3A_307 : i32 to index
      %get3A_331 = tpu.vector_load %arg5[%get3A_329, %get3A_330] {strides = array<i32>} : memref<8x2048xf32, #tpu.memory_space<vmem>>, vector<16xf32>,
      %get3A_332 = arith.constant 6 : i32
      %get3A_333 = arith.index_cast %get3A_332 : i32 to index
      %get3A_334 = arith.index_cast %mul3A_307 : i32 to index
      %get3A_335 = tpu.vector_load %arg5[%get3A_333, %get3A_334] {strides = array<i32>} : memref<8x2048xf32, #tpu.memory_space<vmem>>, vector<16xf32>,
      %get3A_336 = arith.constant 7 : i32
      %get3A_337 = arith.index_cast %get3A_336 : i32 to index
      %get3A_338 = arith.index_cast %mul3A_307 : i32 to index
      %get3A_339 = tpu.vector_load %arg5[%get3A_337, %get3A_338] {strides = array<i32>} : memref<8x2048xf32, #tpu.memory_space<vmem>>, vector<16xf32>,
      %max3A = arith.maximumf %get3A_311, %get3A_315 : vector<16xf32>
      %max3A_340 = arith.maximumf %max3A, %get3A_319 : vector<16xf32>
      %max3A_341 = arith.maximumf %max3A_340, %get3A_323 : vector<16xf32>
      %max3A_342 = arith.maximumf %max3A_341, %get3A_327 : vector<16xf32>
      %max3A_343 = arith.maximumf %max3A_342, %get3A_331 : vector<16xf32>
      %max3A_344 = arith.maximumf %max3A_343, %get3A_335 : vector<16xf32>
      %max3A_345 = arith.maximumf %max3A_344, %get3A_339 : vector<16xf32>
      %broadcast_in_dim3A_346 = arith.constant 8 : i32
      %broadcast_in_dim3A_347 = vector.broadcast %broadcast_in_dim3A_346 : i32 to vector<16xi32>
      %eq3A_348 = arith.cmpf oeq, %get3A_339, %max3A_345 : vector<16xf32>
      %jit3A_349 = arith.constant 7 : i32
      %broadcast_in_dim3A_350 = vector.broadcast %jit3A_349 : i32 to vector<16xi32>
      %select_n3A_351 = arith.select %eq3A_348, %broadcast_in_dim3A_350, %broadcast_in_dim3A_347 : vector<16xi1>, vector<16xi32>
      %eq3A_352 = arith.cmpf oeq, %get3A_335, %max3A_345 : vector<16xf32>
      %jit3A_353 = arith.constant 6 : i32
      %broadcast_in_dim3A_354 = vector.broadcast %jit3A_353 : i32 to vector<16xi32>
      %select_n3A_355 = arith.select %eq3A_352, %broadcast_in_dim3A_354, %select_n3A_351 : vector<16xi1>, vector<16xi32>
      %eq3A_356 = arith.cmpf oeq, %get3A_331, %max3A_345 : vector<16xf32>
      %jit3A_357 = arith.constant 5 : i32
      %broadcast_in_dim3A_358 = vector.broadcast %jit3A_357 : i32 to vector<16xi32>
      %select_n3A_359 = arith.select %eq3A_356, %broadcast_in_dim3A_358, %select_n3A_355 : vector<16xi1>, vector<16xi32>
      %eq3A_360 = arith.cmpf oeq, %get3A_327, %max3A_345 : vector<16xf32>
      %jit3A_361 = arith.constant 4 : i32
      %broadcast_in_dim3A_362 = vector.broadcast %jit3A_361 : i32 to vector<16xi32>
      %select_n3A_363 = arith.select %eq3A_360, %broadcast_in_dim3A_362, %select_n3A_359 : vector<16xi1>, vector<16xi32>
      %eq3A_364 = arith.cmpf oeq, %get3A_323, %max3A_345 : vector<16xf32>
      %jit3A_365 = arith.constant 3 : i32
      %broadcast_in_dim3A_366 = vector.broadcast %jit3A_365 : i32 to vector<16xi32>
      %select_n3A_367 = arith.select %eq3A_364, %broadcast_in_dim3A_366, %select_n3A_363 : vector<16xi1>, vector<16xi32>
      %eq3A_368 = arith.cmpf oeq, %get3A_319, %max3A_345 : vector<16xf32>
      %jit3A_369 = arith.constant 2 : i32
      %broadcast_in_dim3A_370 = vector.broadcast %jit3A_369 : i32 to vector<16xi32>
      %select_n3A_371 = arith.select %eq3A_368, %broadcast_in_dim3A_370, %select_n3A_367 : vector<16xi1>, vector<16xi32>
      %eq3A_372 = arith.cmpf oeq, %get3A_315, %max3A_345 : vector<16xf32>
      %jit3A_373 = arith.constant 1 : i32
      %broadcast_in_dim3A_374 = vector.broadcast %jit3A_373 : i32 to vector<16xi32>
      %select_n3A_375 = arith.select %eq3A_372, %broadcast_in_dim3A_374, %select_n3A_371 : vector<16xi1>, vector<16xi32>
      %eq3A_376 = arith.cmpf oeq, %get3A_311, %max3A_345 : vector<16xf32>
      %jit3A_377 = arith.constant 0 : i32
      %broadcast_in_dim3A_378 = vector.broadcast %jit3A_377 : i32 to vector<16xi32>
      %select_n3A_379 = arith.select %eq3A_376, %broadcast_in_dim3A_378, %select_n3A_375 : vector<16xi1>, vector<16xi32>
      %eq3A_380 = arith.constant 0 : i32
      %eq3A_381 = vector.broadcast %eq3A_380 : i32 to vector<16xi32>
      %eq3A_382 = arith.cmpi eq, %select_n3A_379, %eq3A_381 : vector<16xi32>
      %select_n3A_383 = arith.select %eq3A_382, %broadcast_in_dim3A_1, %get3A_311 : vector<16xi1>, vector<16xf32>
      %eq3A_384 = arith.constant 1 : i32
      %eq3A_385 = vector.broadcast %eq3A_384 : i32 to vector<16xi32>
      %eq3A_386 = arith.cmpi eq, %select_n3A_379, %eq3A_385 : vector<16xi32>
      %select_n3A_387 = arith.select %eq3A_386, %broadcast_in_dim3A_1, %get3A_315 : vector<16xi1>, vector<16xf32>
      %eq3A_388 = arith.constant 2 : i32
      %eq3A_389 = vector.broadcast %eq3A_388 : i32 to vector<16xi32>
      %eq3A_390 = arith.cmpi eq, %select_n3A_379, %eq3A_389 : vector<16xi32>
      %select_n3A_391 = arith.select %eq3A_390, %broadcast_in_dim3A_1, %get3A_319 : vector<16xi1>, vector<16xf32>
      %eq3A_392 = arith.constant 3 : i32
      %eq3A_393 = vector.broadcast %eq3A_392 : i32 to vector<16xi32>
      %eq3A_394 = arith.cmpi eq, %select_n3A_379, %eq3A_393 : vector<16xi32>
      %select_n3A_395 = arith.select %eq3A_394, %broadcast_in_dim3A_1, %get3A_323 : vector<16xi1>, vector<16xf32>
      %eq3A_396 = arith.constant 4 : i32
      %eq3A_397 = vector.broadcast %eq3A_396 : i32 to vector<16xi32>
      %eq3A_398 = arith.cmpi eq, %select_n3A_379, %eq3A_397 : vector<16xi32>
      %select_n3A_399 = arith.select %eq3A_398, %broadcast_in_dim3A_1, %get3A_327 : vector<16xi1>, vector<16xf32>
      %eq3A_400 = arith.constant 5 : i32
      %eq3A_401 = vector.broadcast %eq3A_400 : i32 to vector<16xi32>
      %eq3A_402 = arith.cmpi eq, %select_n3A_379, %eq3A_401 : vector<16xi32>
      %select_n3A_403 = arith.select %eq3A_402, %broadcast_in_dim3A_1, %get3A_331 : vector<16xi1>, vector<16xf32>
      %eq3A_404 = arith.constant 6 : i32
      %eq3A_405 = vector.broadcast %eq3A_404 : i32 to vector<16xi32>
      %eq3A_406 = arith.cmpi eq, %select_n3A_379, %eq3A_405 : vector<16xi32>
      %select_n3A_407 = arith.select %eq3A_406, %broadcast_in_dim3A_1, %get3A_335 : vector<16xi1>, vector<16xf32>
      %eq3A_408 = arith.constant 7 : i32
      %eq3A_409 = vector.broadcast %eq3A_408 : i32 to vector<16xi32>
      %eq3A_410 = arith.cmpi eq, %select_n3A_379, %eq3A_409 : vector<16xi32>
      %select_n3A_411 = arith.select %eq3A_410, %broadcast_in_dim3A_1, %get3A_339 : vector<16xi1>, vector<16xf32>
      %max3A_412 = arith.maximumf %select_n3A_383, %select_n3A_387 : vector<16xf32>
      %max3A_413 = arith.maximumf %max3A_412, %select_n3A_391 : vector<16xf32>
      %max3A_414 = arith.maximumf %max3A_413, %select_n3A_395 : vector<16xf32>
      %max3A_415 = arith.maximumf %max3A_414, %select_n3A_399 : vector<16xf32>
      %max3A_416 = arith.maximumf %max3A_415, %select_n3A_403 : vector<16xf32>
      %max3A_417 = arith.maximumf %max3A_416, %select_n3A_407 : vector<16xf32>
      %max3A_418 = arith.maximumf %max3A_417, %select_n3A_411 : vector<16xf32>
      %broadcast_in_dim3A_419 = arith.constant 8 : i32
      %broadcast_in_dim3A_420 = vector.broadcast %broadcast_in_dim3A_419 : i32 to vector<16xi32>
      %eq3A_421 = arith.cmpf oeq, %select_n3A_411, %max3A_418 : vector<16xf32>
      %jit3A_422 = arith.constant 7 : i32
      %broadcast_in_dim3A_423 = vector.broadcast %jit3A_422 : i32 to vector<16xi32>
      %select_n3A_424 = arith.select %eq3A_421, %broadcast_in_dim3A_423, %broadcast_in_dim3A_420 : vector<16xi1>, vector<16xi32>
      %eq3A_425 = arith.cmpf oeq, %select_n3A_407, %max3A_418 : vector<16xf32>
      %jit3A_426 = arith.constant 6 : i32
      %broadcast_in_dim3A_427 = vector.broadcast %jit3A_426 : i32 to vector<16xi32>
      %select_n3A_428 = arith.select %eq3A_425, %broadcast_in_dim3A_427, %select_n3A_424 : vector<16xi1>, vector<16xi32>
      %eq3A_429 = arith.cmpf oeq, %select_n3A_403, %max3A_418 : vector<16xf32>
      %jit3A_430 = arith.constant 5 : i32
      %broadcast_in_dim3A_431 = vector.broadcast %jit3A_430 : i32 to vector<16xi32>
      %select_n3A_432 = arith.select %eq3A_429, %broadcast_in_dim3A_431, %select_n3A_428 : vector<16xi1>, vector<16xi32>
      %eq3A_433 = arith.cmpf oeq, %select_n3A_399, %max3A_418 : vector<16xf32>
      %jit3A_434 = arith.constant 4 : i32
      %broadcast_in_dim3A_435 = vector.broadcast %jit3A_434 : i32 to vector<16xi32>
      %select_n3A_436 = arith.select %eq3A_433, %broadcast_in_dim3A_435, %select_n3A_432 : vector<16xi1>, vector<16xi32>
      %eq3A_437 = arith.cmpf oeq, %select_n3A_395, %max3A_418 : vector<16xf32>
      %jit3A_438 = arith.constant 3 : i32
      %broadcast_in_dim3A_439 = vector.broadcast %jit3A_438 : i32 to vector<16xi32>
      %select_n3A_440 = arith.select %eq3A_437, %broadcast_in_dim3A_439, %select_n3A_436 : vector<16xi1>, vector<16xi32>
      %eq3A_441 = arith.cmpf oeq, %select_n3A_391, %max3A_418 : vector<16xf32>
      %jit3A_442 = arith.constant 2 : i32
      %broadcast_in_dim3A_443 = vector.broadcast %jit3A_442 : i32 to vector<16xi32>
      %select_n3A_444 = arith.select %eq3A_441, %broadcast_in_dim3A_443, %select_n3A_440 : vector<16xi1>, vector<16xi32>
      %eq3A_445 = arith.cmpf oeq, %select_n3A_387, %max3A_418 : vector<16xf32>
      %jit3A_446 = arith.constant 1 : i32
      %broadcast_in_dim3A_447 = vector.broadcast %jit3A_446 : i32 to vector<16xi32>
      %select_n3A_448 = arith.select %eq3A_445, %broadcast_in_dim3A_447, %select_n3A_444 : vector<16xi1>, vector<16xi32>
      %eq3A_449 = arith.cmpf oeq, %select_n3A_383, %max3A_418 : vector<16xf32>
      %jit3A_450 = arith.constant 0 : i32
      %broadcast_in_dim3A_451 = vector.broadcast %jit3A_450 : i32 to vector<16xi32>
      %select_n3A_452 = arith.select %eq3A_449, %broadcast_in_dim3A_451, %select_n3A_448 : vector<16xi1>, vector<16xi32>
      %sub3A = arith.subf %max3A_418, %max3A_345 : vector<16xf32>
      %exp3A = math.exp %sub3A : vector<16xf32>
      %add3A_453 = arith.constant 1.000000e+00 : f32
      %add3A_454 = vector.broadcast %add3A_453 : f32 to vector<16xf32>
      %add3A_455 = arith.addf %add3A_454, %exp3A : vector<16xf32>
      %div3A = arith.constant 1.000000e+00 : f32
      %div3A_456 = vector.broadcast %div3A : f32 to vector<16xf32>
      %div3A_457 = arith.divf %div3A_456, %add3A_455 : vector<16xf32>
      %div3A_458 = arith.divf %exp3A, %add3A_455 : vector<16xf32>
      %swap3A_459 = arith.index_cast %mul3A_307 : i32 to index
      %swap3A_460 = tpu.vector_load %arg7[%swap3A_459] {strides = array<i32>} : memref<2048xf32, #tpu.memory_space<vmem>>, vector<16xf32>,
      tpu.vector_store %arg7[%swap3A_459], %div3A_457 {strides = array<i32>} : memref<2048xf32, #tpu.memory_space<vmem>>, vector<16xf32>,
      %swap3A_461 = arith.index_cast %mul3A_307 : i32 to index
      %swap3A_462 = tpu.vector_load %arg8[%swap3A_461] {strides = array<i32>} : memref<2048xf32, #tpu.memory_space<vmem>>, vector<16xf32>,
      tpu.vector_store %arg8[%swap3A_461], %div3A_458 {strides = array<i32>} : memref<2048xf32, #tpu.memory_space<vmem>>, vector<16xf32>,
      %swap3A_463 = arith.index_cast %mul3A_307 : i32 to index
      %swap3A_464 = tpu.vector_load %arg9[%swap3A_463] {strides = array<i32>} : memref<2048xi32, #tpu.memory_space<vmem>>, vector<16xi32>,
      tpu.vector_store %arg9[%swap3A_463], %select_n3A_379 {strides = array<i32>} : memref<2048xi32, #tpu.memory_space<vmem>>, vector<16xi32>,
      %swap3A_465 = arith.index_cast %mul3A_307 : i32 to index
      %swap3A_466 = tpu.vector_load %arg10[%swap3A_465] {strides = array<i32>} : memref<2048xi32, #tpu.memory_space<vmem>>, vector<16xi32>,
      tpu.vector_store %arg10[%swap3A_465], %select_n3A_452 {strides = array<i32>} : memref<2048xi32, #tpu.memory_space<vmem>>, vector<16xi32>,
      %gt3A_467 = arith.constant 0.000000e+00 : f32
      %gt3A_468 = vector.broadcast %gt3A_467 : f32 to vector<16xf32>
      %gt3A_469 = arith.cmpf ogt, %div3A_458, %gt3A_468 : vector<16xf32>
      %eq3A_470 = arith.constant 0 : i32
      %eq3A_471 = vector.broadcast %eq3A_470 : i32 to vector<16xi32>
      %eq3A_472 = arith.cmpi eq, %select_n3A_379, %eq3A_471 : vector<16xi32>
      %eq3A_473 = arith.constant 0 : i32
      %eq3A_474 = vector.broadcast %eq3A_473 : i32 to vector<16xi32>
      %eq3A_475 = arith.cmpi eq, %select_n3A_452, %eq3A_474 : vector<16xi32>
      %and3A = arith.andi %eq3A_475, %gt3A_469 : vector<16xi1>
      %or3A = arith.ori %eq3A_472, %and3A : vector<16xi1>
      %convert_element_type3A = arith.extui %or3A : vector<16xi1> to vector<16xi32>
      %add3A_476 = arith.addi %scan3A_298, %convert_element_type3A : vector<16xi32>
      %eq3A_477 = arith.constant 1 : i32
      %eq3A_478 = vector.broadcast %eq3A_477 : i32 to vector<16xi32>
      %eq3A_479 = arith.cmpi eq, %select_n3A_379, %eq3A_478 : vector<16xi32>
      %eq3A_480 = arith.constant 1 : i32
      %eq3A_481 = vector.broadcast %eq3A_480 : i32 to vector<16xi32>
      %eq3A_482 = arith.cmpi eq, %select_n3A_452, %eq3A_481 : vector<16xi32>
      %and3A_483 = arith.andi %eq3A_482, %gt3A_469 : vector<16xi1>
      %or3A_484 = arith.ori %eq3A_479, %and3A_483 : vector<16xi1>
      %convert_element_type3A_485 = arith.extui %or3A_484 : vector<16xi1> to vector<16xi32>
      %add3A_486 = arith.addi %scan3A_299, %convert_element_type3A_485 : vector<16xi32>
      %eq3A_487 = arith.constant 2 : i32
      %eq3A_488 = vector.broadcast %eq3A_487 : i32 to vector<16xi32>
      %eq3A_489 = arith.cmpi eq, %select_n3A_379, %eq3A_488 : vector<16xi32>
      %eq3A_490 = arith.constant 2 : i32
      %eq3A_491 = vector.broadcast %eq3A_490 : i32 to vector<16xi32>
      %eq3A_492 = arith.cmpi eq, %select_n3A_452, %eq3A_491 : vector<16xi32>
      %and3A_493 = arith.andi %eq3A_492, %gt3A_469 : vector<16xi1>
      %or3A_494 = arith.ori %eq3A_489, %and3A_493 : vector<16xi1>
      %convert_element_type3A_495 = arith.extui %or3A_494 : vector<16xi1> to vector<16xi32>
      %add3A_496 = arith.addi %scan3A_300, %convert_element_type3A_495 : vector<16xi32>
      %eq3A_497 = arith.constant 3 : i32
      %eq3A_498 = vector.broadcast %eq3A_497 : i32 to vector<16xi32>
      %eq3A_499 = arith.cmpi eq, %select_n3A_379, %eq3A_498 : vector<16xi32>
      %eq3A_500 = arith.constant 3 : i32
      %eq3A_501 = vector.broadcast %eq3A_500 : i32 to vector<16xi32>
      %eq3A_502 = arith.cmpi eq, %select_n3A_452, %eq3A_501 : vector<16xi32>
      %and3A_503 = arith.andi %eq3A_502, %gt3A_469 : vector<16xi1>
      %or3A_504 = arith.ori %eq3A_499, %and3A_503 : vector<16xi1>
      %convert_element_type3A_505 = arith.extui %or3A_504 : vector<16xi1> to vector<16xi32>
      %add3A_506 = arith.addi %scan3A_301, %convert_element_type3A_505 : vector<16xi32>
      %eq3A_507 = arith.constant 4 : i32
      %eq3A_508 = vector.broadcast %eq3A_507 : i32 to vector<16xi32>
      %eq3A_509 = arith.cmpi eq, %select_n3A_379, %eq3A_508 : vector<16xi32>
      %eq3A_510 = arith.constant 4 : i32
      %eq3A_511 = vector.broadcast %eq3A_510 : i32 to vector<16xi32>
      %eq3A_512 = arith.cmpi eq, %select_n3A_452, %eq3A_511 : vector<16xi32>
      %and3A_513 = arith.andi %eq3A_512, %gt3A_469 : vector<16xi1>
      %or3A_514 = arith.ori %eq3A_509, %and3A_513 : vector<16xi1>
      %convert_element_type3A_515 = arith.extui %or3A_514 : vector<16xi1> to vector<16xi32>
      %add3A_516 = arith.addi %scan3A_302, %convert_element_type3A_515 : vector<16xi32>
      %eq3A_517 = arith.constant 5 : i32
      %eq3A_518 = vector.broadcast %eq3A_517 : i32 to vector<16xi32>
      %eq3A_519 = arith.cmpi eq, %select_n3A_379, %eq3A_518 : vector<16xi32>
      %eq3A_520 = arith.constant 5 : i32
      %eq3A_521 = vector.broadcast %eq3A_520 : i32 to vector<16xi32>
      %eq3A_522 = arith.cmpi eq, %select_n3A_452, %eq3A_521 : vector<16xi32>
      %and3A_523 = arith.andi %eq3A_522, %gt3A_469 : vector<16xi1>
      %or3A_524 = arith.ori %eq3A_519, %and3A_523 : vector<16xi1>
      %convert_element_type3A_525 = arith.extui %or3A_524 : vector<16xi1> to vector<16xi32>
      %add3A_526 = arith.addi %scan3A_303, %convert_element_type3A_525 : vector<16xi32>
      %eq3A_527 = arith.constant 6 : i32
      %eq3A_528 = vector.broadcast %eq3A_527 : i32 to vector<16xi32>
      %eq3A_529 = arith.cmpi eq, %select_n3A_379, %eq3A_528 : vector<16xi32>
      %eq3A_530 = arith.constant 6 : i32
      %eq3A_531 = vector.broadcast %eq3A_530 : i32 to vector<16xi32>
      %eq3A_532 = arith.cmpi eq, %select_n3A_452, %eq3A_531 : vector<16xi32>
      %and3A_533 = arith.andi %eq3A_532, %gt3A_469 : vector<16xi1>
      %or3A_534 = arith.ori %eq3A_529, %and3A_533 : vector<16xi1>
      %convert_element_type3A_535 = arith.extui %or3A_534 : vector<16xi1> to vector<16xi32>
      %add3A_536 = arith.addi %scan3A_304, %convert_element_type3A_535 : vector<16xi32>
      %eq3A_537 = arith.constant 7 : i32
      %eq3A_538 = vector.broadcast %eq3A_537 : i32 to vector<16xi32>
      %eq3A_539 = arith.cmpi eq, %select_n3A_379, %eq3A_538 : vector<16xi32>
      %eq3A_540 = arith.constant 7 : i32
      %eq3A_541 = vector.broadcast %eq3A_540 : i32 to vector<16xi32>
      %eq3A_542 = arith.cmpi eq, %select_n3A_452, %eq3A_541 : vector<16xi32>
      %and3A_543 = arith.andi %eq3A_542, %gt3A_469 : vector<16xi1>
      %or3A_544 = arith.ori %eq3A_539, %and3A_543 : vector<16xi1>
      %convert_element_type3A_545 = arith.extui %or3A_544 : vector<16xi1> to vector<16xi32>
      %add3A_546 = arith.addi %scan3A_305, %convert_element_type3A_545 : vector<16xi32>
      scf.yield %add3A_476, %add3A_486, %add3A_496, %add3A_506, %add3A_516, %add3A_526, %add3A_536, %add3A_546 : vector<16xi32>, vector<16xi32>, vector<16xi32>, vector<16xi32>, vector<16xi32>, vector<16xi32>, vector<16xi32>, vector<16xi32>
    }
    %scan3A_22 = arith.constant 128 : i32
    %broadcast_in_dim3A_23 = arith.constant 0 : i32
    %broadcast_in_dim3A_24 = vector.broadcast %broadcast_in_dim3A_23 : i32 to vector<16xi32>
    %reduce_sum3A = arith.constant true
    %reduce_sum3A_25 = vector.broadcast %reduce_sum3A : i1 to vector<16xi1>
    %reduce_sum3A_26 = tpu.scan <sum>, %scan3A_21#0 masked %reduce_sum3A_25 : vector<16xi32>, vector<16xi1> -> vector<16xi32>
    %reduce_sum3A_27 = vector.extract %reduce_sum3A_26[15] : i32 from vector<16xi32>
    %eq3A = arith.constant 0 : i32
    %eq3A_28 = vector.broadcast %eq3A : i32 to vector<16xi32>
    %eq3A_29 = arith.cmpi eq, %iota3A, %eq3A_28 : vector<16xi32>
    %jit3A = arith.constant 0 : i32
    %broadcast_in_dim3A_30 = vector.broadcast %reduce_sum3A_27 : i32 to vector<16xi32>
    %broadcast_in_dim3A_31 = vector.broadcast %jit3A : i32 to vector<16xi32>
    %select_n3A = arith.select %eq3A_29, %broadcast_in_dim3A_30, %broadcast_in_dim3A_31 : vector<16xi1>, vector<16xi32>
    %add3A = arith.addi %broadcast_in_dim3A_24, %select_n3A : vector<16xi32>
    %reduce_sum3A_32 = arith.constant true
    %reduce_sum3A_33 = vector.broadcast %reduce_sum3A_32 : i1 to vector<16xi1>
    %reduce_sum3A_34 = tpu.scan <sum>, %scan3A_21#1 masked %reduce_sum3A_33 : vector<16xi32>, vector<16xi1> -> vector<16xi32>
    %reduce_sum3A_35 = vector.extract %reduce_sum3A_34[15] : i32 from vector<16xi32>
    %eq3A_36 = arith.constant 1 : i32
    %eq3A_37 = vector.broadcast %eq3A_36 : i32 to vector<16xi32>
    %eq3A_38 = arith.cmpi eq, %iota3A, %eq3A_37 : vector<16xi32>
    %jit3A_39 = arith.constant 0 : i32
    %broadcast_in_dim3A_40 = vector.broadcast %reduce_sum3A_35 : i32 to vector<16xi32>
    %broadcast_in_dim3A_41 = vector.broadcast %jit3A_39 : i32 to vector<16xi32>
    %select_n3A_42 = arith.select %eq3A_38, %broadcast_in_dim3A_40, %broadcast_in_dim3A_41 : vector<16xi1>, vector<16xi32>
    %add3A_43 = arith.addi %add3A, %select_n3A_42 : vector<16xi32>
    %reduce_sum3A_44 = arith.constant true
    %reduce_sum3A_45 = vector.broadcast %reduce_sum3A_44 : i1 to vector<16xi1>
    %reduce_sum3A_46 = tpu.scan <sum>, %scan3A_21#2 masked %reduce_sum3A_45 : vector<16xi32>, vector<16xi1> -> vector<16xi32>
    %reduce_sum3A_47 = vector.extract %reduce_sum3A_46[15] : i32 from vector<16xi32>
    %eq3A_48 = arith.constant 2 : i32
    %eq3A_49 = vector.broadcast %eq3A_48 : i32 to vector<16xi32>
    %eq3A_50 = arith.cmpi eq, %iota3A, %eq3A_49 : vector<16xi32>
    %jit3A_51 = arith.constant 0 : i32
    %broadcast_in_dim3A_52 = vector.broadcast %reduce_sum3A_47 : i32 to vector<16xi32>
    %broadcast_in_dim3A_53 = vector.broadcast %jit3A_51 : i32 to vector<16xi32>
    %select_n3A_54 = arith.select %eq3A_50, %broadcast_in_dim3A_52, %broadcast_in_dim3A_53 : vector<16xi1>, vector<16xi32>
    %add3A_55 = arith.addi %add3A_43, %select_n3A_54 : vector<16xi32>
    %reduce_sum3A_56 = arith.constant true
    %reduce_sum3A_57 = vector.broadcast %reduce_sum3A_56 : i1 to vector<16xi1>
    %reduce_sum3A_58 = tpu.scan <sum>, %scan3A_21#3 masked %reduce_sum3A_57 : vector<16xi32>, vector<16xi1> -> vector<16xi32>
    %reduce_sum3A_59 = vector.extract %reduce_sum3A_58[15] : i32 from vector<16xi32>
    %eq3A_60 = arith.constant 3 : i32
    %eq3A_61 = vector.broadcast %eq3A_60 : i32 to vector<16xi32>
    %eq3A_62 = arith.cmpi eq, %iota3A, %eq3A_61 : vector<16xi32>
    %jit3A_63 = arith.constant 0 : i32
    %broadcast_in_dim3A_64 = vector.broadcast %reduce_sum3A_59 : i32 to vector<16xi32>
    %broadcast_in_dim3A_65 = vector.broadcast %jit3A_63 : i32 to vector<16xi32>
    %select_n3A_66 = arith.select %eq3A_62, %broadcast_in_dim3A_64, %broadcast_in_dim3A_65 : vector<16xi1>, vector<16xi32>
    %add3A_67 = arith.addi %add3A_55, %select_n3A_66 : vector<16xi32>
    %reduce_sum3A_68 = arith.constant true
    %reduce_sum3A_69 = vector.broadcast %reduce_sum3A_68 : i1 to vector<16xi1>
    %reduce_sum3A_70 = tpu.scan <sum>, %scan3A_21#4 masked %reduce_sum3A_69 : vector<16xi32>, vector<16xi1> -> vector<16xi32>
    %reduce_sum3A_71 = vector.extract %reduce_sum3A_70[15] : i32 from vector<16xi32>
    %eq3A_72 = arith.constant 4 : i32
    %eq3A_73 = vector.broadcast %eq3A_72 : i32 to vector<16xi32>
    %eq3A_74 = arith.cmpi eq, %iota3A, %eq3A_73 : vector<16xi32>
    %jit3A_75 = arith.constant 0 : i32
    %broadcast_in_dim3A_76 = vector.broadcast %reduce_sum3A_71 : i32 to vector<16xi32>
    %broadcast_in_dim3A_77 = vector.broadcast %jit3A_75 : i32 to vector<16xi32>
    %select_n3A_78 = arith.select %eq3A_74, %broadcast_in_dim3A_76, %broadcast_in_dim3A_77 : vector<16xi1>, vector<16xi32>
    %add3A_79 = arith.addi %add3A_67, %select_n3A_78 : vector<16xi32>
    %reduce_sum3A_80 = arith.constant true
    %reduce_sum3A_81 = vector.broadcast %reduce_sum3A_80 : i1 to vector<16xi1>
    %reduce_sum3A_82 = tpu.scan <sum>, %scan3A_21#5 masked %reduce_sum3A_81 : vector<16xi32>, vector<16xi1> -> vector<16xi32>
    %reduce_sum3A_83 = vector.extract %reduce_sum3A_82[15] : i32 from vector<16xi32>
    %eq3A_84 = arith.constant 5 : i32
    %eq3A_85 = vector.broadcast %eq3A_84 : i32 to vector<16xi32>
    %eq3A_86 = arith.cmpi eq, %iota3A, %eq3A_85 : vector<16xi32>
    %jit3A_87 = arith.constant 0 : i32
    %broadcast_in_dim3A_88 = vector.broadcast %reduce_sum3A_83 : i32 to vector<16xi32>
    %broadcast_in_dim3A_89 = vector.broadcast %jit3A_87 : i32 to vector<16xi32>
    %select_n3A_90 = arith.select %eq3A_86, %broadcast_in_dim3A_88, %broadcast_in_dim3A_89 : vector<16xi1>, vector<16xi32>
    %add3A_91 = arith.addi %add3A_79, %select_n3A_90 : vector<16xi32>
    %reduce_sum3A_92 = arith.constant true
    %reduce_sum3A_93 = vector.broadcast %reduce_sum3A_92 : i1 to vector<16xi1>
    %reduce_sum3A_94 = tpu.scan <sum>, %scan3A_21#6 masked %reduce_sum3A_93 : vector<16xi32>, vector<16xi1> -> vector<16xi32>
    %reduce_sum3A_95 = vector.extract %reduce_sum3A_94[15] : i32 from vector<16xi32>
    %eq3A_96 = arith.constant 6 : i32
    %eq3A_97 = vector.broadcast %eq3A_96 : i32 to vector<16xi32>
    %eq3A_98 = arith.cmpi eq, %iota3A, %eq3A_97 : vector<16xi32>
    %jit3A_99 = arith.constant 0 : i32
    %broadcast_in_dim3A_100 = vector.broadcast %reduce_sum3A_95 : i32 to vector<16xi32>
    %broadcast_in_dim3A_101 = vector.broadcast %jit3A_99 : i32 to vector<16xi32>
    %select_n3A_102 = arith.select %eq3A_98, %broadcast_in_dim3A_100, %broadcast_in_dim3A_101 : vector<16xi1>, vector<16xi32>
    %add3A_103 = arith.addi %add3A_91, %select_n3A_102 : vector<16xi32>
    %reduce_sum3A_104 = arith.constant true
    %reduce_sum3A_105 = vector.broadcast %reduce_sum3A_104 : i1 to vector<16xi1>
    %reduce_sum3A_106 = tpu.scan <sum>, %scan3A_21#7 masked %reduce_sum3A_105 : vector<16xi32>, vector<16xi1> -> vector<16xi32>
    %reduce_sum3A_107 = vector.extract %reduce_sum3A_106[15] : i32 from vector<16xi32>
    %eq3A_108 = arith.constant 7 : i32
    %eq3A_109 = vector.broadcast %eq3A_108 : i32 to vector<16xi32>
    %eq3A_110 = arith.cmpi eq, %iota3A, %eq3A_109 : vector<16xi32>
    %jit3A_111 = arith.constant 0 : i32
    %broadcast_in_dim3A_112 = vector.broadcast %reduce_sum3A_107 : i32 to vector<16xi32>
    %broadcast_in_dim3A_113 = vector.broadcast %jit3A_111 : i32 to vector<16xi32>
    %select_n3A_114 = arith.select %eq3A_110, %broadcast_in_dim3A_112, %broadcast_in_dim3A_113 : vector<16xi1>, vector<16xi32>
    %add3A_115 = arith.addi %add3A_103, %select_n3A_114 : vector<16xi32>
    %swap3A = arith.constant 0 : index
    %swap3A_116 = tpu.vector_load %arg11[%swap3A] {strides = array<i32>} : memref<16xi32, #tpu.memory_space<vmem>>, vector<16xi32>,
    tpu.vector_store %arg11[%swap3A], %add3A_115 {strides = array<i32>} : memref<16xi32, #tpu.memory_space<vmem>>, vector<16xi32>,
    "tpu.region"() ({
      %run_scoped3A = tpu.sem_alloc : memref<!tpu.dma_semaphore, #tpu.memory_space<semaphore_mem>>
      %dma_start3A = arith.constant 0 : i32
      %dma_start3A_297 = tpu.memref_slice %arg4[%arg1, %dma_start3A] : memref<16x16xi32, #tpu.memory_space<hbm>> -> memref<1x16xi32, #tpu.memory_space<hbm>>
      %dma_start3A_298 = tpu.memref_squeeze %dma_start3A_297 : memref<1x16xi32, #tpu.memory_space<hbm>> -> memref<16xi32, #tpu.memory_space<hbm>>
      %dma_start3A_299 = arith.constant 0 : i32
      %dma_start3A_300 = tpu.memref_slice %arg4[%arg1, %dma_start3A_299] : memref<16x16xi32, #tpu.memory_space<hbm>> -> memref<1x16xi32, #tpu.memory_space<hbm>>
      %dma_start3A_301 = tpu.memref_squeeze %dma_start3A_300 : memref<1x16xi32, #tpu.memory_space<hbm>> -> memref<16xi32, #tpu.memory_space<hbm>>
      tpu.enqueue_dma source(%arg11 : memref<16xi32, #tpu.memory_space<vmem>>) target(%dma_start3A_301 : memref<16xi32, #tpu.memory_space<hbm>>) target_semaphore(%run_scoped3A : memref<!tpu.dma_semaphore, #tpu.memory_space<semaphore_mem>>)
      %dma_wait3A = arith.constant 0 : i32
      %dma_wait3A_302 = tpu.memref_slice %arg4[%arg1, %dma_wait3A] : memref<16x16xi32, #tpu.memory_space<hbm>> -> memref<1x16xi32, #tpu.memory_space<hbm>>
      %dma_wait3A_303 = tpu.memref_squeeze %dma_wait3A_302 : memref<1x16xi32, #tpu.memory_space<hbm>> -> memref<16xi32, #tpu.memory_space<hbm>>
      %dma_wait3A_304 = arith.constant 0 : i32
      %dma_wait3A_305 = tpu.memref_slice %arg4[%arg1, %dma_wait3A_304] : memref<16x16xi32, #tpu.memory_space<hbm>> -> memref<1x16xi32, #tpu.memory_space<hbm>>
      %dma_wait3A_306 = tpu.memref_squeeze %dma_wait3A_305 : memref<1x16xi32, #tpu.memory_space<hbm>> -> memref<16xi32, #tpu.memory_space<hbm>>
      tpu.wait_dma2 semaphore(%run_scoped3A : memref<!tpu.dma_semaphore, #tpu.memory_space<semaphore_mem>>) src(%arg11 : memref<16xi32, #tpu.memory_space<vmem>>) dst(%dma_wait3A_306 : memref<16xi32, #tpu.memory_space<hbm>>)
      tpu.yield
    }) : () -> ()
    %barrier3A = arith.constant 0 : index
    tpu.barrier barrier_id(%barrier3A)
    "tpu.region"() ({
      %run_scoped3A = tpu.sem_alloc : memref<!tpu.dma_semaphore, #tpu.memory_space<semaphore_mem>>
      tpu.enqueue_dma source(%arg4 : memref<16x16xi32, #tpu.memory_space<hbm>>) target(%arg12 : memref<16x16xi32, #tpu.memory_space<vmem>>) target_semaphore(%run_scoped3A : memref<!tpu.dma_semaphore, #tpu.memory_space<semaphore_mem>>)
      tpu.wait_dma2 semaphore(%run_scoped3A : memref<!tpu.dma_semaphore, #tpu.memory_space<semaphore_mem>>) src(%arg4 : memref<16x16xi32, #tpu.memory_space<hbm>>) dst(%arg12 : memref<16x16xi32, #tpu.memory_space<vmem>>)
      tpu.yield
    }) : () -> ()
    %broadcast_in_dim3A_117 = arith.constant 0 : i32
    %broadcast_in_dim3A_118 = vector.broadcast %broadcast_in_dim3A_117 : i32 to vector<16xi32>
    %get3A = arith.constant 0 : i32
    %get3A_119 = arith.index_cast %get3A : i32 to index
    %get3A_120 = arith.constant 0 : index
    %get3A_121 = tpu.vector_load %arg12[%get3A_119, %get3A_120] {strides = array<i32>} : memref<16x16xi32, #tpu.memory_space<vmem>>, vector<16xi32>,
    %gt3A = arith.constant 0 : i32
    %gt3A_122 = arith.cmpi sgt, %arg1, %gt3A : i32
    %jit3A_123 = arith.constant 0 : i32
    %broadcast_in_dim3A_124 = vector.broadcast %jit3A_123 : i32 to vector<16xi32>
    %select_n3A_125 = arith.select %gt3A_122, %get3A_121, %broadcast_in_dim3A_124 : vector<16xi32>
    %add3A_126 = arith.addi %broadcast_in_dim3A_118, %select_n3A_125 : vector<16xi32>
    %get3A_127 = arith.constant 1 : i32
    %get3A_128 = arith.index_cast %get3A_127 : i32 to index
    %get3A_129 = arith.constant 0 : index
    %get3A_130 = tpu.vector_load %arg12[%get3A_128, %get3A_129] {strides = array<i32>} : memref<16x16xi32, #tpu.memory_space<vmem>>, vector<16xi32>,
    %gt3A_131 = arith.constant 1 : i32
    %gt3A_132 = arith.cmpi sgt, %arg1, %gt3A_131 : i32
    %jit3A_133 = arith.constant 0 : i32
    %broadcast_in_dim3A_134 = vector.broadcast %jit3A_133 : i32 to vector<16xi32>
    %select_n3A_135 = arith.select %gt3A_132, %get3A_130, %broadcast_in_dim3A_134 : vector<16xi32>
    %add3A_136 = arith.addi %add3A_126, %select_n3A_135 : vector<16xi32>
    %get3A_137 = arith.constant 2 : i32
    %get3A_138 = arith.index_cast %get3A_137 : i32 to index
    %get3A_139 = arith.constant 0 : index
    %get3A_140 = tpu.vector_load %arg12[%get3A_138, %get3A_139] {strides = array<i32>} : memref<16x16xi32, #tpu.memory_space<vmem>>, vector<16xi32>,
    %gt3A_141 = arith.constant 2 : i32
    %gt3A_142 = arith.cmpi sgt, %arg1, %gt3A_141 : i32
    %jit3A_143 = arith.constant 0 : i32
    %broadcast_in_dim3A_144 = vector.broadcast %jit3A_143 : i32 to vector<16xi32>
    %select_n3A_145 = arith.select %gt3A_142, %get3A_140, %broadcast_in_dim3A_144 : vector<16xi32>
    %add3A_146 = arith.addi %add3A_136, %select_n3A_145 : vector<16xi32>
    %get3A_147 = arith.constant 3 : i32
    %get3A_148 = arith.index_cast %get3A_147 : i32 to index
    %get3A_149 = arith.constant 0 : index
    %get3A_150 = tpu.vector_load %arg12[%get3A_148, %get3A_149] {strides = array<i32>} : memref<16x16xi32, #tpu.memory_space<vmem>>, vector<16xi32>,
    %gt3A_151 = arith.constant 3 : i32
    %gt3A_152 = arith.cmpi sgt, %arg1, %gt3A_151 : i32
    %jit3A_153 = arith.constant 0 : i32
    %broadcast_in_dim3A_154 = vector.broadcast %jit3A_153 : i32 to vector<16xi32>
    %select_n3A_155 = arith.select %gt3A_152, %get3A_150, %broadcast_in_dim3A_154 : vector<16xi32>
    %add3A_156 = arith.addi %add3A_146, %select_n3A_155 : vector<16xi32>
    %get3A_157 = arith.constant 4 : i32
    %get3A_158 = arith.index_cast %get3A_157 : i32 to index
    %get3A_159 = arith.constant 0 : index
    %get3A_160 = tpu.vector_load %arg12[%get3A_158, %get3A_159] {strides = array<i32>} : memref<16x16xi32, #tpu.memory_space<vmem>>, vector<16xi32>,
    %gt3A_161 = arith.constant 4 : i32
    %gt3A_162 = arith.cmpi sgt, %arg1, %gt3A_161 : i32
    %jit3A_163 = arith.constant 0 : i32
    %broadcast_in_dim3A_164 = vector.broadcast %jit3A_163 : i32 to vector<16xi32>
    %select_n3A_165 = arith.select %gt3A_162, %get3A_160, %broadcast_in_dim3A_164 : vector<16xi32>
    %add3A_166 = arith.addi %add3A_156, %select_n3A_165 : vector<16xi32>
    %get3A_167 = arith.constant 5 : i32
    %get3A_168 = arith.index_cast %get3A_167 : i32 to index
    %get3A_169 = arith.constant 0 : index
    %get3A_170 = tpu.vector_load %arg12[%get3A_168, %get3A_169] {strides = array<i32>} : memref<16x16xi32, #tpu.memory_space<vmem>>, vector<16xi32>,
    %gt3A_171 = arith.constant 5 : i32
    %gt3A_172 = arith.cmpi sgt, %arg1, %gt3A_171 : i32
    %jit3A_173 = arith.constant 0 : i32
    %broadcast_in_dim3A_174 = vector.broadcast %jit3A_173 : i32 to vector<16xi32>
    %select_n3A_175 = arith.select %gt3A_172, %get3A_170, %broadcast_in_dim3A_174 : vector<16xi32>
    %add3A_176 = arith.addi %add3A_166, %select_n3A_175 : vector<16xi32>
    %get3A_177 = arith.constant 6 : i32
    %get3A_178 = arith.index_cast %get3A_177 : i32 to index
    %get3A_179 = arith.constant 0 : index
    %get3A_180 = tpu.vector_load %arg12[%get3A_178, %get3A_179] {strides = array<i32>} : memref<16x16xi32, #tpu.memory_space<vmem>>, vector<16xi32>,
    %gt3A_181 = arith.constant 6 : i32
    %gt3A_182 = arith.cmpi sgt, %arg1, %gt3A_181 : i32
    %jit3A_183 = arith.constant 0 : i32
    %broadcast_in_dim3A_184 = vector.broadcast %jit3A_183 : i32 to vector<16xi32>
    %select_n3A_185 = arith.select %gt3A_182, %get3A_180, %broadcast_in_dim3A_184 : vector<16xi32>
    %add3A_186 = arith.addi %add3A_176, %select_n3A_185 : vector<16xi32>
    %get3A_187 = arith.constant 7 : i32
    %get3A_188 = arith.index_cast %get3A_187 : i32 to index
    %get3A_189 = arith.constant 0 : index
    %get3A_190 = tpu.vector_load %arg12[%get3A_188, %get3A_189] {strides = array<i32>} : memref<16x16xi32, #tpu.memory_space<vmem>>, vector<16xi32>,
    %gt3A_191 = arith.constant 7 : i32
    %gt3A_192 = arith.cmpi sgt, %arg1, %gt3A_191 : i32
    %jit3A_193 = arith.constant 0 : i32
    %broadcast_in_dim3A_194 = vector.broadcast %jit3A_193 : i32 to vector<16xi32>
    %select_n3A_195 = arith.select %gt3A_192, %get3A_190, %broadcast_in_dim3A_194 : vector<16xi32>
    %add3A_196 = arith.addi %add3A_186, %select_n3A_195 : vector<16xi32>
    %get3A_197 = arith.constant 8 : i32
    %get3A_198 = arith.index_cast %get3A_197 : i32 to index
    %get3A_199 = arith.constant 0 : index
    %get3A_200 = tpu.vector_load %arg12[%get3A_198, %get3A_199] {strides = array<i32>} : memref<16x16xi32, #tpu.memory_space<vmem>>, vector<16xi32>,
    %gt3A_201 = arith.constant 8 : i32
    %gt3A_202 = arith.cmpi sgt, %arg1, %gt3A_201 : i32
    %jit3A_203 = arith.constant 0 : i32
    %broadcast_in_dim3A_204 = vector.broadcast %jit3A_203 : i32 to vector<16xi32>
    %select_n3A_205 = arith.select %gt3A_202, %get3A_200, %broadcast_in_dim3A_204 : vector<16xi32>
    %add3A_206 = arith.addi %add3A_196, %select_n3A_205 : vector<16xi32>
    %get3A_207 = arith.constant 9 : i32
    %get3A_208 = arith.index_cast %get3A_207 : i32 to index
    %get3A_209 = arith.constant 0 : index
    %get3A_210 = tpu.vector_load %arg12[%get3A_208, %get3A_209] {strides = array<i32>} : memref<16x16xi32, #tpu.memory_space<vmem>>, vector<16xi32>,
    %gt3A_211 = arith.constant 9 : i32
    %gt3A_212 = arith.cmpi sgt, %arg1, %gt3A_211 : i32
    %jit3A_213 = arith.constant 0 : i32
    %broadcast_in_dim3A_214 = vector.broadcast %jit3A_213 : i32 to vector<16xi32>
    %select_n3A_215 = arith.select %gt3A_212, %get3A_210, %broadcast_in_dim3A_214 : vector<16xi32>
    %add3A_216 = arith.addi %add3A_206, %select_n3A_215 : vector<16xi32>
    %get3A_217 = arith.constant 10 : i32
    %get3A_218 = arith.index_cast %get3A_217 : i32 to index
    %get3A_219 = arith.constant 0 : index
    %get3A_220 = tpu.vector_load %arg12[%get3A_218, %get3A_219] {strides = array<i32>} : memref<16x16xi32, #tpu.memory_space<vmem>>, vector<16xi32>,
    %gt3A_221 = arith.constant 10 : i32
    %gt3A_222 = arith.cmpi sgt, %arg1, %gt3A_221 : i32
    %jit3A_223 = arith.constant 0 : i32
    %broadcast_in_dim3A_224 = vector.broadcast %jit3A_223 : i32 to vector<16xi32>
    %select_n3A_225 = arith.select %gt3A_222, %get3A_220, %broadcast_in_dim3A_224 : vector<16xi32>
    %add3A_226 = arith.addi %add3A_216, %select_n3A_225 : vector<16xi32>
    %get3A_227 = arith.constant 11 : i32
    %get3A_228 = arith.index_cast %get3A_227 : i32 to index
    %get3A_229 = arith.constant 0 : index
    %get3A_230 = tpu.vector_load %arg12[%get3A_228, %get3A_229] {strides = array<i32>} : memref<16x16xi32, #tpu.memory_space<vmem>>, vector<16xi32>,
    %gt3A_231 = arith.constant 11 : i32
    %gt3A_232 = arith.cmpi sgt, %arg1, %gt3A_231 : i32
    %jit3A_233 = arith.constant 0 : i32
    %broadcast_in_dim3A_234 = vector.broadcast %jit3A_233 : i32 to vector<16xi32>
    %select_n3A_235 = arith.select %gt3A_232, %get3A_230, %broadcast_in_dim3A_234 : vector<16xi32>
    %add3A_236 = arith.addi %add3A_226, %select_n3A_235 : vector<16xi32>
    %get3A_237 = arith.constant 12 : i32
    %get3A_238 = arith.index_cast %get3A_237 : i32 to index
    %get3A_239 = arith.constant 0 : index
    %get3A_240 = tpu.vector_load %arg12[%get3A_238, %get3A_239] {strides = array<i32>} : memref<16x16xi32, #tpu.memory_space<vmem>>, vector<16xi32>,
    %gt3A_241 = arith.constant 12 : i32
    %gt3A_242 = arith.cmpi sgt, %arg1, %gt3A_241 : i32
    %jit3A_243 = arith.constant 0 : i32
    %broadcast_in_dim3A_244 = vector.broadcast %jit3A_243 : i32 to vector<16xi32>
    %select_n3A_245 = arith.select %gt3A_242, %get3A_240, %broadcast_in_dim3A_244 : vector<16xi32>
    %add3A_246 = arith.addi %add3A_236, %select_n3A_245 : vector<16xi32>
    %get3A_247 = arith.constant 13 : i32
    %get3A_248 = arith.index_cast %get3A_247 : i32 to index
    %get3A_249 = arith.constant 0 : index
    %get3A_250 = tpu.vector_load %arg12[%get3A_248, %get3A_249] {strides = array<i32>} : memref<16x16xi32, #tpu.memory_space<vmem>>, vector<16xi32>,
    %gt3A_251 = arith.constant 13 : i32
    %gt3A_252 = arith.cmpi sgt, %arg1, %gt3A_251 : i32
    %jit3A_253 = arith.constant 0 : i32
    %broadcast_in_dim3A_254 = vector.broadcast %jit3A_253 : i32 to vector<16xi32>
    %select_n3A_255 = arith.select %gt3A_252, %get3A_250, %broadcast_in_dim3A_254 : vector<16xi32>
    %add3A_256 = arith.addi %add3A_246, %select_n3A_255 : vector<16xi32>
    %get3A_257 = arith.constant 14 : i32
    %get3A_258 = arith.index_cast %get3A_257 : i32 to index
    %get3A_259 = arith.constant 0 : index
    %get3A_260 = tpu.vector_load %arg12[%get3A_258, %get3A_259] {strides = array<i32>} : memref<16x16xi32, #tpu.memory_space<vmem>>, vector<16xi32>,
    %gt3A_261 = arith.constant 14 : i32
    %gt3A_262 = arith.cmpi sgt, %arg1, %gt3A_261 : i32
    %jit3A_263 = arith.constant 0 : i32
    %broadcast_in_dim3A_264 = vector.broadcast %jit3A_263 : i32 to vector<16xi32>
    %select_n3A_265 = arith.select %gt3A_262, %get3A_260, %broadcast_in_dim3A_264 : vector<16xi32>
    %add3A_266 = arith.addi %add3A_256, %select_n3A_265 : vector<16xi32>
    %get3A_267 = arith.constant 15 : i32
    %get3A_268 = arith.index_cast %get3A_267 : i32 to index
    %get3A_269 = arith.constant 0 : index
    %get3A_270 = tpu.vector_load %arg12[%get3A_268, %get3A_269] {strides = array<i32>} : memref<16x16xi32, #tpu.memory_space<vmem>>, vector<16xi32>,
    %gt3A_271 = arith.constant 15 : i32
    %gt3A_272 = arith.cmpi sgt, %arg1, %gt3A_271 : i32
    %jit3A_273 = arith.constant 0 : i32
    %broadcast_in_dim3A_274 = vector.broadcast %jit3A_273 : i32 to vector<16xi32>
    %select_n3A_275 = arith.select %gt3A_272, %get3A_270, %broadcast_in_dim3A_274 : vector<16xi32>
    %add3A_276 = arith.addi %add3A_266, %select_n3A_275 : vector<16xi32>
    %slice3A = vector.extract_strided_slice %add3A_276 {offsets = [0], sizes = [1], strides = [1]} : vector<16xi32> to vector<1xi32>
    %squeeze3A = vector.extract %slice3A[0] : i32 from vector<1xi32>
    %slice3A_277 = vector.extract_strided_slice %add3A_276 {offsets = [1], sizes = [1], strides = [1]} : vector<16xi32> to vector<1xi32>
    %squeeze3A_278 = vector.extract %slice3A_277[0] : i32 from vector<1xi32>
    %slice3A_279 = vector.extract_strided_slice %add3A_276 {offsets = [2], sizes = [1], strides = [1]} : vector<16xi32> to vector<1xi32>
    %squeeze3A_280 = vector.extract %slice3A_279[0] : i32 from vector<1xi32>
    %slice3A_281 = vector.extract_strided_slice %add3A_276 {offsets = [3], sizes = [1], strides = [1]} : vector<16xi32> to vector<1xi32>
    %squeeze3A_282 = vector.extract %slice3A_281[0] : i32 from vector<1xi32>
    %slice3A_283 = vector.extract_strided_slice %add3A_276 {offsets = [4], sizes = [1], strides = [1]} : vector<16xi32> to vector<1xi32>
    %squeeze3A_284 = vector.extract %slice3A_283[0] : i32 from vector<1xi32>
    %slice3A_285 = vector.extract_strided_slice %add3A_276 {offsets = [5], sizes = [1], strides = [1]} : vector<16xi32> to vector<1xi32>
    %squeeze3A_286 = vector.extract %slice3A_285[0] : i32 from vector<1xi32>
    %slice3A_287 = vector.extract_strided_slice %add3A_276 {offsets = [6], sizes = [1], strides = [1]} : vector<16xi32> to vector<1xi32>
    %squeeze3A_288 = vector.extract %slice3A_287[0] : i32 from vector<1xi32>
    %slice3A_289 = vector.extract_strided_slice %add3A_276 {offsets = [7], sizes = [1], strides = [1]} : vector<16xi32> to vector<1xi32>
    %squeeze3A_290 = vector.extract %slice3A_289[0] : i32 from vector<1xi32>
    %scan3A_291 = arith.constant 0 : i32
    %scan3A_292 = arith.constant 128 : i32
    %scan3A_293 = arith.addi %scan3A_291, %scan3A_292 : i32
    %scan3A_294 = arith.constant 1 : i32
    %scan3A_295:8 = scf.for %scan3A_297 = %scan3A_291 to %scan3A_293 step %scan3A_294 iter_args(%scan3A_298 = %squeeze3A, %scan3A_299 = %squeeze3A_278, %scan3A_300 = %squeeze3A_280, %scan3A_301 = %squeeze3A_282, %scan3A_302 = %squeeze3A_284, %scan3A_303 = %squeeze3A_286, %scan3A_304 = %squeeze3A_288, %scan3A_305 = %squeeze3A_290) -> (i32, i32, i32, i32, i32, i32, i32, i32)  : i32 {
      %mul3A_306 = arith.constant 16 : i32
      %mul3A_307 = arith.muli %scan3A_297, %mul3A_306 : i32
      %get3A_308 = arith.index_cast %mul3A_307 : i32 to index
      %get3A_309 = tpu.vector_load %arg7[%get3A_308] {strides = array<i32>} : memref<2048xf32, #tpu.memory_space<vmem>>, vector<16xf32>,
      %get3A_310 = arith.index_cast %mul3A_307 : i32 to index
      %get3A_311 = tpu.vector_load %arg8[%get3A_310] {strides = array<i32>} : memref<2048xf32, #tpu.memory_space<vmem>>, vector<16xf32>,
      %get3A_312 = arith.index_cast %mul3A_307 : i32 to index
      %get3A_313 = tpu.vector_load %arg9[%get3A_312] {strides = array<i32>} : memref<2048xi32, #tpu.memory_space<vmem>>, vector<16xi32>,
      %get3A_314 = arith.index_cast %mul3A_307 : i32 to index
      %get3A_315 = tpu.vector_load %arg10[%get3A_314] {strides = array<i32>} : memref<2048xi32, #tpu.memory_space<vmem>>, vector<16xi32>,
      %gt3A_316 = arith.constant 0.000000e+00 : f32
      %gt3A_317 = vector.broadcast %gt3A_316 : f32 to vector<16xf32>
      %gt3A_318 = arith.cmpf ogt, %get3A_311, %gt3A_317 : vector<16xf32>
      %eq3A_319 = arith.constant 0 : i32
      %eq3A_320 = vector.broadcast %eq3A_319 : i32 to vector<16xi32>
      %eq3A_321 = arith.cmpi eq, %get3A_313, %eq3A_320 : vector<16xi32>
      %eq3A_322 = arith.constant 0 : i32
      %eq3A_323 = vector.broadcast %eq3A_322 : i32 to vector<16xi32>
      %eq3A_324 = arith.cmpi eq, %get3A_315, %eq3A_323 : vector<16xi32>
      %and3A = arith.andi %eq3A_324, %gt3A_318 : vector<16xi1>
      %or3A = arith.ori %eq3A_321, %and3A : vector<16xi1>
      %convert_element_type3A = arith.extui %or3A : vector<16xi1> to vector<16xi32>
      %broadcast_in_dim3A_325 = arith.constant true
      %broadcast_in_dim3A_326 = vector.broadcast %broadcast_in_dim3A_325 : i1 to vector<16xi1>
      %masked_cumsum3A = tpu.scan <sum>, %convert_element_type3A masked %broadcast_in_dim3A_326 : vector<16xi32>, vector<16xi1> -> vector<16xi32>
      %add3A_327 = vector.broadcast %scan3A_298 : i32 to vector<16xi32>
      %add3A_328 = arith.addi %masked_cumsum3A, %add3A_327 : vector<16xi32>
      %le3A = arith.constant 8192 : i32
      %le3A_329 = vector.broadcast %le3A : i32 to vector<16xi32>
      %le3A_330 = arith.cmpi sle, %add3A_328, %le3A_329 : vector<16xi32>
      %and3A_331 = arith.andi %or3A, %le3A_330 : vector<16xi1>
      %eq3A_332 = arith.constant 0 : i32
      %eq3A_333 = vector.broadcast %eq3A_332 : i32 to vector<16xi32>
      %eq3A_334 = arith.cmpi eq, %get3A_313, %eq3A_333 : vector<16xi32>
      %jit3A_335 = arith.constant 0.000000e+00 : f32
      %broadcast_in_dim3A_336 = vector.broadcast %jit3A_335 : f32 to vector<16xf32>
      %select_n3A_337 = arith.select %eq3A_334, %get3A_309, %broadcast_in_dim3A_336 : vector<16xi1>, vector<16xf32>
      %eq3A_338 = arith.constant 0 : i32
      %eq3A_339 = vector.broadcast %eq3A_338 : i32 to vector<16xi32>
      %eq3A_340 = arith.cmpi eq, %get3A_315, %eq3A_339 : vector<16xi32>
      %jit3A_341 = arith.constant 0.000000e+00 : f32
      %broadcast_in_dim3A_342 = vector.broadcast %jit3A_341 : f32 to vector<16xf32>
      %select_n3A_343 = arith.select %eq3A_340, %get3A_311, %broadcast_in_dim3A_342 : vector<16xi1>, vector<16xf32>
      %add3A_344 = arith.addf %select_n3A_337, %select_n3A_343 : vector<16xf32>
      %jit3A_345 = arith.constant 0.000000e+00 : f32
      %broadcast_in_dim3A_346 = vector.broadcast %jit3A_345 : f32 to vector<16xf32>
      %select_n3A_347 = arith.select %and3A_331, %add3A_344, %broadcast_in_dim3A_346 : vector<16xi1>, vector<16xf32>
      %swap3A_348 = arith.constant 0 : i32
      %swap3A_349 = arith.index_cast %swap3A_348 : i32 to index
      %swap3A_350 = arith.index_cast %mul3A_307 : i32 to index
      %swap3A_351 = tpu.vector_load %arg6[%swap3A_349, %swap3A_350] {strides = array<i32>} : memref<8x2048xf32, #tpu.memory_space<vmem>>, vector<16xf32>,
      tpu.vector_store %arg6[%swap3A_349, %swap3A_350], %select_n3A_347 {strides = array<i32>} : memref<8x2048xf32, #tpu.memory_space<vmem>>, vector<16xf32>,
      %reduce_sum3A_352 = arith.constant true
      %reduce_sum3A_353 = vector.broadcast %reduce_sum3A_352 : i1 to vector<16xi1>
      %reduce_sum3A_354 = tpu.scan <sum>, %convert_element_type3A masked %reduce_sum3A_353 : vector<16xi32>, vector<16xi1> -> vector<16xi32>
      %reduce_sum3A_355 = vector.extract %reduce_sum3A_354[15] : i32 from vector<16xi32>
      %add3A_356 = arith.addi %scan3A_298, %reduce_sum3A_355 : i32
      %eq3A_357 = arith.constant 1 : i32
      %eq3A_358 = vector.broadcast %eq3A_357 : i32 to vector<16xi32>
      %eq3A_359 = arith.cmpi eq, %get3A_313, %eq3A_358 : vector<16xi32>
      %eq3A_360 = arith.constant 1 : i32
      %eq3A_361 = vector.broadcast %eq3A_360 : i32 to vector<16xi32>
      %eq3A_362 = arith.cmpi eq, %get3A_315, %eq3A_361 : vector<16xi32>
      %and3A_363 = arith.andi %eq3A_362, %gt3A_318 : vector<16xi1>
      %or3A_364 = arith.ori %eq3A_359, %and3A_363 : vector<16xi1>
      %convert_element_type3A_365 = arith.extui %or3A_364 : vector<16xi1> to vector<16xi32>
      %broadcast_in_dim3A_366 = arith.constant true
      %broadcast_in_dim3A_367 = vector.broadcast %broadcast_in_dim3A_366 : i1 to vector<16xi1>
      %masked_cumsum3A_368 = tpu.scan <sum>, %convert_element_type3A_365 masked %broadcast_in_dim3A_367 : vector<16xi32>, vector<16xi1> -> vector<16xi32>
      %add3A_369 = vector.broadcast %scan3A_299 : i32 to vector<16xi32>
      %add3A_370 = arith.addi %masked_cumsum3A_368, %add3A_369 : vector<16xi32>
      %le3A_371 = arith.constant 8192 : i32
      %le3A_372 = vector.broadcast %le3A_371 : i32 to vector<16xi32>
      %le3A_373 = arith.cmpi sle, %add3A_370, %le3A_372 : vector<16xi32>
      %and3A_374 = arith.andi %or3A_364, %le3A_373 : vector<16xi1>
      %eq3A_375 = arith.constant 1 : i32
      %eq3A_376 = vector.broadcast %eq3A_375 : i32 to vector<16xi32>
      %eq3A_377 = arith.cmpi eq, %get3A_313, %eq3A_376 : vector<16xi32>
      %jit3A_378 = arith.constant 0.000000e+00 : f32
      %broadcast_in_dim3A_379 = vector.broadcast %jit3A_378 : f32 to vector<16xf32>
      %select_n3A_380 = arith.select %eq3A_377, %get3A_309, %broadcast_in_dim3A_379 : vector<16xi1>, vector<16xf32>
      %eq3A_381 = arith.constant 1 : i32
      %eq3A_382 = vector.broadcast %eq3A_381 : i32 to vector<16xi32>
      %eq3A_383 = arith.cmpi eq, %get3A_315, %eq3A_382 : vector<16xi32>
      %jit3A_384 = arith.constant 0.000000e+00 : f32
      %broadcast_in_dim3A_385 = vector.broadcast %jit3A_384 : f32 to vector<16xf32>
      %select_n3A_386 = arith.select %eq3A_383, %get3A_311, %broadcast_in_dim3A_385 : vector<16xi1>, vector<16xf32>
      %add3A_387 = arith.addf %select_n3A_380, %select_n3A_386 : vector<16xf32>
      %jit3A_388 = arith.constant 0.000000e+00 : f32
      %broadcast_in_dim3A_389 = vector.broadcast %jit3A_388 : f32 to vector<16xf32>
      %select_n3A_390 = arith.select %and3A_374, %add3A_387, %broadcast_in_dim3A_389 : vector<16xi1>, vector<16xf32>
      %swap3A_391 = arith.constant 1 : i32
      %swap3A_392 = arith.index_cast %swap3A_391 : i32 to index
      %swap3A_393 = arith.index_cast %mul3A_307 : i32 to index
      %swap3A_394 = tpu.vector_load %arg6[%swap3A_392, %swap3A_393] {strides = array<i32>} : memref<8x2048xf32, #tpu.memory_space<vmem>>, vector<16xf32>,
      tpu.vector_store %arg6[%swap3A_392, %swap3A_393], %select_n3A_390 {strides = array<i32>} : memref<8x2048xf32, #tpu.memory_space<vmem>>, vector<16xf32>,
      %reduce_sum3A_395 = arith.constant true
      %reduce_sum3A_396 = vector.broadcast %reduce_sum3A_395 : i1 to vector<16xi1>
      %reduce_sum3A_397 = tpu.scan <sum>, %convert_element_type3A_365 masked %reduce_sum3A_396 : vector<16xi32>, vector<16xi1> -> vector<16xi32>
      %reduce_sum3A_398 = vector.extract %reduce_sum3A_397[15] : i32 from vector<16xi32>
      %add3A_399 = arith.addi %scan3A_299, %reduce_sum3A_398 : i32
      %eq3A_400 = arith.constant 2 : i32
      %eq3A_401 = vector.broadcast %eq3A_400 : i32 to vector<16xi32>
      %eq3A_402 = arith.cmpi eq, %get3A_313, %eq3A_401 : vector<16xi32>
      %eq3A_403 = arith.constant 2 : i32
      %eq3A_404 = vector.broadcast %eq3A_403 : i32 to vector<16xi32>
      %eq3A_405 = arith.cmpi eq, %get3A_315, %eq3A_404 : vector<16xi32>
      %and3A_406 = arith.andi %eq3A_405, %gt3A_318 : vector<16xi1>
      %or3A_407 = arith.ori %eq3A_402, %and3A_406 : vector<16xi1>
      %convert_element_type3A_408 = arith.extui %or3A_407 : vector<16xi1> to vector<16xi32>
      %broadcast_in_dim3A_409 = arith.constant true
      %broadcast_in_dim3A_410 = vector.broadcast %broadcast_in_dim3A_409 : i1 to vector<16xi1>
      %masked_cumsum3A_411 = tpu.scan <sum>, %convert_element_type3A_408 masked %broadcast_in_dim3A_410 : vector<16xi32>, vector<16xi1> -> vector<16xi32>
      %add3A_412 = vector.broadcast %scan3A_300 : i32 to vector<16xi32>
      %add3A_413 = arith.addi %masked_cumsum3A_411, %add3A_412 : vector<16xi32>
      %le3A_414 = arith.constant 8192 : i32
      %le3A_415 = vector.broadcast %le3A_414 : i32 to vector<16xi32>
      %le3A_416 = arith.cmpi sle, %add3A_413, %le3A_415 : vector<16xi32>
      %and3A_417 = arith.andi %or3A_407, %le3A_416 : vector<16xi1>
      %eq3A_418 = arith.constant 2 : i32
      %eq3A_419 = vector.broadcast %eq3A_418 : i32 to vector<16xi32>
      %eq3A_420 = arith.cmpi eq, %get3A_313, %eq3A_419 : vector<16xi32>
      %jit3A_421 = arith.constant 0.000000e+00 : f32
      %broadcast_in_dim3A_422 = vector.broadcast %jit3A_421 : f32 to vector<16xf32>
      %select_n3A_423 = arith.select %eq3A_420, %get3A_309, %broadcast_in_dim3A_422 : vector<16xi1>, vector<16xf32>
      %eq3A_424 = arith.constant 2 : i32
      %eq3A_425 = vector.broadcast %eq3A_424 : i32 to vector<16xi32>
      %eq3A_426 = arith.cmpi eq, %get3A_315, %eq3A_425 : vector<16xi32>
      %jit3A_427 = arith.constant 0.000000e+00 : f32
      %broadcast_in_dim3A_428 = vector.broadcast %jit3A_427 : f32 to vector<16xf32>
      %select_n3A_429 = arith.select %eq3A_426, %get3A_311, %broadcast_in_dim3A_428 : vector<16xi1>, vector<16xf32>
      %add3A_430 = arith.addf %select_n3A_423, %select_n3A_429 : vector<16xf32>
      %jit3A_431 = arith.constant 0.000000e+00 : f32
      %broadcast_in_dim3A_432 = vector.broadcast %jit3A_431 : f32 to vector<16xf32>
      %select_n3A_433 = arith.select %and3A_417, %add3A_430, %broadcast_in_dim3A_432 : vector<16xi1>, vector<16xf32>
      %swap3A_434 = arith.constant 2 : i32
      %swap3A_435 = arith.index_cast %swap3A_434 : i32 to index
      %swap3A_436 = arith.index_cast %mul3A_307 : i32 to index
      %swap3A_437 = tpu.vector_load %arg6[%swap3A_435, %swap3A_436] {strides = array<i32>} : memref<8x2048xf32, #tpu.memory_space<vmem>>, vector<16xf32>,
      tpu.vector_store %arg6[%swap3A_435, %swap3A_436], %select_n3A_433 {strides = array<i32>} : memref<8x2048xf32, #tpu.memory_space<vmem>>, vector<16xf32>,
      %reduce_sum3A_438 = arith.constant true
      %reduce_sum3A_439 = vector.broadcast %reduce_sum3A_438 : i1 to vector<16xi1>
      %reduce_sum3A_440 = tpu.scan <sum>, %convert_element_type3A_408 masked %reduce_sum3A_439 : vector<16xi32>, vector<16xi1> -> vector<16xi32>
      %reduce_sum3A_441 = vector.extract %reduce_sum3A_440[15] : i32 from vector<16xi32>
      %add3A_442 = arith.addi %scan3A_300, %reduce_sum3A_441 : i32
      %eq3A_443 = arith.constant 3 : i32
      %eq3A_444 = vector.broadcast %eq3A_443 : i32 to vector<16xi32>
      %eq3A_445 = arith.cmpi eq, %get3A_313, %eq3A_444 : vector<16xi32>
      %eq3A_446 = arith.constant 3 : i32
      %eq3A_447 = vector.broadcast %eq3A_446 : i32 to vector<16xi32>
      %eq3A_448 = arith.cmpi eq, %get3A_315, %eq3A_447 : vector<16xi32>
      %and3A_449 = arith.andi %eq3A_448, %gt3A_318 : vector<16xi1>
      %or3A_450 = arith.ori %eq3A_445, %and3A_449 : vector<16xi1>
      %convert_element_type3A_451 = arith.extui %or3A_450 : vector<16xi1> to vector<16xi32>
      %broadcast_in_dim3A_452 = arith.constant true
      %broadcast_in_dim3A_453 = vector.broadcast %broadcast_in_dim3A_452 : i1 to vector<16xi1>
      %masked_cumsum3A_454 = tpu.scan <sum>, %convert_element_type3A_451 masked %broadcast_in_dim3A_453 : vector<16xi32>, vector<16xi1> -> vector<16xi32>
      %add3A_455 = vector.broadcast %scan3A_301 : i32 to vector<16xi32>
      %add3A_456 = arith.addi %masked_cumsum3A_454, %add3A_455 : vector<16xi32>
      %le3A_457 = arith.constant 8192 : i32
      %le3A_458 = vector.broadcast %le3A_457 : i32 to vector<16xi32>
      %le3A_459 = arith.cmpi sle, %add3A_456, %le3A_458 : vector<16xi32>
      %and3A_460 = arith.andi %or3A_450, %le3A_459 : vector<16xi1>
      %eq3A_461 = arith.constant 3 : i32
      %eq3A_462 = vector.broadcast %eq3A_461 : i32 to vector<16xi32>
      %eq3A_463 = arith.cmpi eq, %get3A_313, %eq3A_462 : vector<16xi32>
      %jit3A_464 = arith.constant 0.000000e+00 : f32
      %broadcast_in_dim3A_465 = vector.broadcast %jit3A_464 : f32 to vector<16xf32>
      %select_n3A_466 = arith.select %eq3A_463, %get3A_309, %broadcast_in_dim3A_465 : vector<16xi1>, vector<16xf32>
      %eq3A_467 = arith.constant 3 : i32
      %eq3A_468 = vector.broadcast %eq3A_467 : i32 to vector<16xi32>
      %eq3A_469 = arith.cmpi eq, %get3A_315, %eq3A_468 : vector<16xi32>
      %jit3A_470 = arith.constant 0.000000e+00 : f32
      %broadcast_in_dim3A_471 = vector.broadcast %jit3A_470 : f32 to vector<16xf32>
      %select_n3A_472 = arith.select %eq3A_469, %get3A_311, %broadcast_in_dim3A_471 : vector<16xi1>, vector<16xf32>
      %add3A_473 = arith.addf %select_n3A_466, %select_n3A_472 : vector<16xf32>
      %jit3A_474 = arith.constant 0.000000e+00 : f32
      %broadcast_in_dim3A_475 = vector.broadcast %jit3A_474 : f32 to vector<16xf32>
      %select_n3A_476 = arith.select %and3A_460, %add3A_473, %broadcast_in_dim3A_475 : vector<16xi1>, vector<16xf32>
      %swap3A_477 = arith.constant 3 : i32
      %swap3A_478 = arith.index_cast %swap3A_477 : i32 to index
      %swap3A_479 = arith.index_cast %mul3A_307 : i32 to index
      %swap3A_480 = tpu.vector_load %arg6[%swap3A_478, %swap3A_479] {strides = array<i32>} : memref<8x2048xf32, #tpu.memory_space<vmem>>, vector<16xf32>,
      tpu.vector_store %arg6[%swap3A_478, %swap3A_479], %select_n3A_476 {strides = array<i32>} : memref<8x2048xf32, #tpu.memory_space<vmem>>, vector<16xf32>,
      %reduce_sum3A_481 = arith.constant true
      %reduce_sum3A_482 = vector.broadcast %reduce_sum3A_481 : i1 to vector<16xi1>
      %reduce_sum3A_483 = tpu.scan <sum>, %convert_element_type3A_451 masked %reduce_sum3A_482 : vector<16xi32>, vector<16xi1> -> vector<16xi32>
      %reduce_sum3A_484 = vector.extract %reduce_sum3A_483[15] : i32 from vector<16xi32>
      %add3A_485 = arith.addi %scan3A_301, %reduce_sum3A_484 : i32
      %eq3A_486 = arith.constant 4 : i32
      %eq3A_487 = vector.broadcast %eq3A_486 : i32 to vector<16xi32>
      %eq3A_488 = arith.cmpi eq, %get3A_313, %eq3A_487 : vector<16xi32>
      %eq3A_489 = arith.constant 4 : i32
      %eq3A_490 = vector.broadcast %eq3A_489 : i32 to vector<16xi32>
      %eq3A_491 = arith.cmpi eq, %get3A_315, %eq3A_490 : vector<16xi32>
      %and3A_492 = arith.andi %eq3A_491, %gt3A_318 : vector<16xi1>
      %or3A_493 = arith.ori %eq3A_488, %and3A_492 : vector<16xi1>
      %convert_element_type3A_494 = arith.extui %or3A_493 : vector<16xi1> to vector<16xi32>
      %broadcast_in_dim3A_495 = arith.constant true
      %broadcast_in_dim3A_496 = vector.broadcast %broadcast_in_dim3A_495 : i1 to vector<16xi1>
      %masked_cumsum3A_497 = tpu.scan <sum>, %convert_element_type3A_494 masked %broadcast_in_dim3A_496 : vector<16xi32>, vector<16xi1> -> vector<16xi32>
      %add3A_498 = vector.broadcast %scan3A_302 : i32 to vector<16xi32>
      %add3A_499 = arith.addi %masked_cumsum3A_497, %add3A_498 : vector<16xi32>
      %le3A_500 = arith.constant 8192 : i32
      %le3A_501 = vector.broadcast %le3A_500 : i32 to vector<16xi32>
      %le3A_502 = arith.cmpi sle, %add3A_499, %le3A_501 : vector<16xi32>
      %and3A_503 = arith.andi %or3A_493, %le3A_502 : vector<16xi1>
      %eq3A_504 = arith.constant 4 : i32
      %eq3A_505 = vector.broadcast %eq3A_504 : i32 to vector<16xi32>
      %eq3A_506 = arith.cmpi eq, %get3A_313, %eq3A_505 : vector<16xi32>
      %jit3A_507 = arith.constant 0.000000e+00 : f32
      %broadcast_in_dim3A_508 = vector.broadcast %jit3A_507 : f32 to vector<16xf32>
      %select_n3A_509 = arith.select %eq3A_506, %get3A_309, %broadcast_in_dim3A_508 : vector<16xi1>, vector<16xf32>
      %eq3A_510 = arith.constant 4 : i32
      %eq3A_511 = vector.broadcast %eq3A_510 : i32 to vector<16xi32>
      %eq3A_512 = arith.cmpi eq, %get3A_315, %eq3A_511 : vector<16xi32>
      %jit3A_513 = arith.constant 0.000000e+00 : f32
      %broadcast_in_dim3A_514 = vector.broadcast %jit3A_513 : f32 to vector<16xf32>
      %select_n3A_515 = arith.select %eq3A_512, %get3A_311, %broadcast_in_dim3A_514 : vector<16xi1>, vector<16xf32>
      %add3A_516 = arith.addf %select_n3A_509, %select_n3A_515 : vector<16xf32>
      %jit3A_517 = arith.constant 0.000000e+00 : f32
      %broadcast_in_dim3A_518 = vector.broadcast %jit3A_517 : f32 to vector<16xf32>
      %select_n3A_519 = arith.select %and3A_503, %add3A_516, %broadcast_in_dim3A_518 : vector<16xi1>, vector<16xf32>
      %swap3A_520 = arith.constant 4 : i32
      %swap3A_521 = arith.index_cast %swap3A_520 : i32 to index
      %swap3A_522 = arith.index_cast %mul3A_307 : i32 to index
      %swap3A_523 = tpu.vector_load %arg6[%swap3A_521, %swap3A_522] {strides = array<i32>} : memref<8x2048xf32, #tpu.memory_space<vmem>>, vector<16xf32>,
      tpu.vector_store %arg6[%swap3A_521, %swap3A_522], %select_n3A_519 {strides = array<i32>} : memref<8x2048xf32, #tpu.memory_space<vmem>>, vector<16xf32>,
      %reduce_sum3A_524 = arith.constant true
      %reduce_sum3A_525 = vector.broadcast %reduce_sum3A_524 : i1 to vector<16xi1>
      %reduce_sum3A_526 = tpu.scan <sum>, %convert_element_type3A_494 masked %reduce_sum3A_525 : vector<16xi32>, vector<16xi1> -> vector<16xi32>
      %reduce_sum3A_527 = vector.extract %reduce_sum3A_526[15] : i32 from vector<16xi32>
      %add3A_528 = arith.addi %scan3A_302, %reduce_sum3A_527 : i32
      %eq3A_529 = arith.constant 5 : i32
      %eq3A_530 = vector.broadcast %eq3A_529 : i32 to vector<16xi32>
      %eq3A_531 = arith.cmpi eq, %get3A_313, %eq3A_530 : vector<16xi32>
      %eq3A_532 = arith.constant 5 : i32
      %eq3A_533 = vector.broadcast %eq3A_532 : i32 to vector<16xi32>
      %eq3A_534 = arith.cmpi eq, %get3A_315, %eq3A_533 : vector<16xi32>
      %and3A_535 = arith.andi %eq3A_534, %gt3A_318 : vector<16xi1>
      %or3A_536 = arith.ori %eq3A_531, %and3A_535 : vector<16xi1>
      %convert_element_type3A_537 = arith.extui %or3A_536 : vector<16xi1> to vector<16xi32>
      %broadcast_in_dim3A_538 = arith.constant true
      %broadcast_in_dim3A_539 = vector.broadcast %broadcast_in_dim3A_538 : i1 to vector<16xi1>
      %masked_cumsum3A_540 = tpu.scan <sum>, %convert_element_type3A_537 masked %broadcast_in_dim3A_539 : vector<16xi32>, vector<16xi1> -> vector<16xi32>
      %add3A_541 = vector.broadcast %scan3A_303 : i32 to vector<16xi32>
      %add3A_542 = arith.addi %masked_cumsum3A_540, %add3A_541 : vector<16xi32>
      %le3A_543 = arith.constant 8192 : i32
      %le3A_544 = vector.broadcast %le3A_543 : i32 to vector<16xi32>
      %le3A_545 = arith.cmpi sle, %add3A_542, %le3A_544 : vector<16xi32>
      %and3A_546 = arith.andi %or3A_536, %le3A_545 : vector<16xi1>
      %eq3A_547 = arith.constant 5 : i32
      %eq3A_548 = vector.broadcast %eq3A_547 : i32 to vector<16xi32>
      %eq3A_549 = arith.cmpi eq, %get3A_313, %eq3A_548 : vector<16xi32>
      %jit3A_550 = arith.constant 0.000000e+00 : f32
      %broadcast_in_dim3A_551 = vector.broadcast %jit3A_550 : f32 to vector<16xf32>
      %select_n3A_552 = arith.select %eq3A_549, %get3A_309, %broadcast_in_dim3A_551 : vector<16xi1>, vector<16xf32>
      %eq3A_553 = arith.constant 5 : i32
      %eq3A_554 = vector.broadcast %eq3A_553 : i32 to vector<16xi32>
      %eq3A_555 = arith.cmpi eq, %get3A_315, %eq3A_554 : vector<16xi32>
      %jit3A_556 = arith.constant 0.000000e+00 : f32
      %broadcast_in_dim3A_557 = vector.broadcast %jit3A_556 : f32 to vector<16xf32>
      %select_n3A_558 = arith.select %eq3A_555, %get3A_311, %broadcast_in_dim3A_557 : vector<16xi1>, vector<16xf32>
      %add3A_559 = arith.addf %select_n3A_552, %select_n3A_558 : vector<16xf32>
      %jit3A_560 = arith.constant 0.000000e+00 : f32
      %broadcast_in_dim3A_561 = vector.broadcast %jit3A_560 : f32 to vector<16xf32>
      %select_n3A_562 = arith.select %and3A_546, %add3A_559, %broadcast_in_dim3A_561 : vector<16xi1>, vector<16xf32>
      %swap3A_563 = arith.constant 5 : i32
      %swap3A_564 = arith.index_cast %swap3A_563 : i32 to index
      %swap3A_565 = arith.index_cast %mul3A_307 : i32 to index
      %swap3A_566 = tpu.vector_load %arg6[%swap3A_564, %swap3A_565] {strides = array<i32>} : memref<8x2048xf32, #tpu.memory_space<vmem>>, vector<16xf32>,
      tpu.vector_store %arg6[%swap3A_564, %swap3A_565], %select_n3A_562 {strides = array<i32>} : memref<8x2048xf32, #tpu.memory_space<vmem>>, vector<16xf32>,
      %reduce_sum3A_567 = arith.constant true
      %reduce_sum3A_568 = vector.broadcast %reduce_sum3A_567 : i1 to vector<16xi1>
      %reduce_sum3A_569 = tpu.scan <sum>, %convert_element_type3A_537 masked %reduce_sum3A_568 : vector<16xi32>, vector<16xi1> -> vector<16xi32>
      %reduce_sum3A_570 = vector.extract %reduce_sum3A_569[15] : i32 from vector<16xi32>
      %add3A_571 = arith.addi %scan3A_303, %reduce_sum3A_570 : i32
      %eq3A_572 = arith.constant 6 : i32
      %eq3A_573 = vector.broadcast %eq3A_572 : i32 to vector<16xi32>
      %eq3A_574 = arith.cmpi eq, %get3A_313, %eq3A_573 : vector<16xi32>
      %eq3A_575 = arith.constant 6 : i32
      %eq3A_576 = vector.broadcast %eq3A_575 : i32 to vector<16xi32>
      %eq3A_577 = arith.cmpi eq, %get3A_315, %eq3A_576 : vector<16xi32>
      %and3A_578 = arith.andi %eq3A_577, %gt3A_318 : vector<16xi1>
      %or3A_579 = arith.ori %eq3A_574, %and3A_578 : vector<16xi1>
      %convert_element_type3A_580 = arith.extui %or3A_579 : vector<16xi1> to vector<16xi32>
      %broadcast_in_dim3A_581 = arith.constant true
      %broadcast_in_dim3A_582 = vector.broadcast %broadcast_in_dim3A_581 : i1 to vector<16xi1>
      %masked_cumsum3A_583 = tpu.scan <sum>, %convert_element_type3A_580 masked %broadcast_in_dim3A_582 : vector<16xi32>, vector<16xi1> -> vector<16xi32>
      %add3A_584 = vector.broadcast %scan3A_304 : i32 to vector<16xi32>
      %add3A_585 = arith.addi %masked_cumsum3A_583, %add3A_584 : vector<16xi32>
      %le3A_586 = arith.constant 8192 : i32
      %le3A_587 = vector.broadcast %le3A_586 : i32 to vector<16xi32>
      %le3A_588 = arith.cmpi sle, %add3A_585, %le3A_587 : vector<16xi32>
      %and3A_589 = arith.andi %or3A_579, %le3A_588 : vector<16xi1>
      %eq3A_590 = arith.constant 6 : i32
      %eq3A_591 = vector.broadcast %eq3A_590 : i32 to vector<16xi32>
      %eq3A_592 = arith.cmpi eq, %get3A_313, %eq3A_591 : vector<16xi32>
      %jit3A_593 = arith.constant 0.000000e+00 : f32
      %broadcast_in_dim3A_594 = vector.broadcast %jit3A_593 : f32 to vector<16xf32>
      %select_n3A_595 = arith.select %eq3A_592, %get3A_309, %broadcast_in_dim3A_594 : vector<16xi1>, vector<16xf32>
      %eq3A_596 = arith.constant 6 : i32
      %eq3A_597 = vector.broadcast %eq3A_596 : i32 to vector<16xi32>
      %eq3A_598 = arith.cmpi eq, %get3A_315, %eq3A_597 : vector<16xi32>
      %jit3A_599 = arith.constant 0.000000e+00 : f32
      %broadcast_in_dim3A_600 = vector.broadcast %jit3A_599 : f32 to vector<16xf32>
      %select_n3A_601 = arith.select %eq3A_598, %get3A_311, %broadcast_in_dim3A_600 : vector<16xi1>, vector<16xf32>
      %add3A_602 = arith.addf %select_n3A_595, %select_n3A_601 : vector<16xf32>
      %jit3A_603 = arith.constant 0.000000e+00 : f32
      %broadcast_in_dim3A_604 = vector.broadcast %jit3A_603 : f32 to vector<16xf32>
      %select_n3A_605 = arith.select %and3A_589, %add3A_602, %broadcast_in_dim3A_604 : vector<16xi1>, vector<16xf32>
      %swap3A_606 = arith.constant 6 : i32
      %swap3A_607 = arith.index_cast %swap3A_606 : i32 to index
      %swap3A_608 = arith.index_cast %mul3A_307 : i32 to index
      %swap3A_609 = tpu.vector_load %arg6[%swap3A_607, %swap3A_608] {strides = array<i32>} : memref<8x2048xf32, #tpu.memory_space<vmem>>, vector<16xf32>,
      tpu.vector_store %arg6[%swap3A_607, %swap3A_608], %select_n3A_605 {strides = array<i32>} : memref<8x2048xf32, #tpu.memory_space<vmem>>, vector<16xf32>,
      %reduce_sum3A_610 = arith.constant true
      %reduce_sum3A_611 = vector.broadcast %reduce_sum3A_610 : i1 to vector<16xi1>
      %reduce_sum3A_612 = tpu.scan <sum>, %convert_element_type3A_580 masked %reduce_sum3A_611 : vector<16xi32>, vector<16xi1> -> vector<16xi32>
      %reduce_sum3A_613 = vector.extract %reduce_sum3A_612[15] : i32 from vector<16xi32>
      %add3A_614 = arith.addi %scan3A_304, %reduce_sum3A_613 : i32
      %eq3A_615 = arith.constant 7 : i32
      %eq3A_616 = vector.broadcast %eq3A_615 : i32 to vector<16xi32>
      %eq3A_617 = arith.cmpi eq, %get3A_313, %eq3A_616 : vector<16xi32>
      %eq3A_618 = arith.constant 7 : i32
      %eq3A_619 = vector.broadcast %eq3A_618 : i32 to vector<16xi32>
      %eq3A_620 = arith.cmpi eq, %get3A_315, %eq3A_619 : vector<16xi32>
      %and3A_621 = arith.andi %eq3A_620, %gt3A_318 : vector<16xi1>
      %or3A_622 = arith.ori %eq3A_617, %and3A_621 : vector<16xi1>
      %convert_element_type3A_623 = arith.extui %or3A_622 : vector<16xi1> to vector<16xi32>
      %broadcast_in_dim3A_624 = arith.constant true
      %broadcast_in_dim3A_625 = vector.broadcast %broadcast_in_dim3A_624 : i1 to vector<16xi1>
      %masked_cumsum3A_626 = tpu.scan <sum>, %convert_element_type3A_623 masked %broadcast_in_dim3A_625 : vector<16xi32>, vector<16xi1> -> vector<16xi32>
      %add3A_627 = vector.broadcast %scan3A_305 : i32 to vector<16xi32>
      %add3A_628 = arith.addi %masked_cumsum3A_626, %add3A_627 : vector<16xi32>
      %le3A_629 = arith.constant 8192 : i32
      %le3A_630 = vector.broadcast %le3A_629 : i32 to vector<16xi32>
      %le3A_631 = arith.cmpi sle, %add3A_628, %le3A_630 : vector<16xi32>
      %and3A_632 = arith.andi %or3A_622, %le3A_631 : vector<16xi1>
      %eq3A_633 = arith.constant 7 : i32
      %eq3A_634 = vector.broadcast %eq3A_633 : i32 to vector<16xi32>
      %eq3A_635 = arith.cmpi eq, %get3A_313, %eq3A_634 : vector<16xi32>
      %jit3A_636 = arith.constant 0.000000e+00 : f32
      %broadcast_in_dim3A_637 = vector.broadcast %jit3A_636 : f32 to vector<16xf32>
      %select_n3A_638 = arith.select %eq3A_635, %get3A_309, %broadcast_in_dim3A_637 : vector<16xi1>, vector<16xf32>
      %eq3A_639 = arith.constant 7 : i32
      %eq3A_640 = vector.broadcast %eq3A_639 : i32 to vector<16xi32>
      %eq3A_641 = arith.cmpi eq, %get3A_315, %eq3A_640 : vector<16xi32>
      %jit3A_642 = arith.constant 0.000000e+00 : f32
      %broadcast_in_dim3A_643 = vector.broadcast %jit3A_642 : f32 to vector<16xf32>
      %select_n3A_644 = arith.select %eq3A_641, %get3A_311, %broadcast_in_dim3A_643 : vector<16xi1>, vector<16xf32>
      %add3A_645 = arith.addf %select_n3A_638, %select_n3A_644 : vector<16xf32>
      %jit3A_646 = arith.constant 0.000000e+00 : f32
      %broadcast_in_dim3A_647 = vector.broadcast %jit3A_646 : f32 to vector<16xf32>
      %select_n3A_648 = arith.select %and3A_632, %add3A_645, %broadcast_in_dim3A_647 : vector<16xi1>, vector<16xf32>
      %swap3A_649 = arith.constant 7 : i32
      %swap3A_650 = arith.index_cast %swap3A_649 : i32 to index
      %swap3A_651 = arith.index_cast %mul3A_307 : i32 to index
      %swap3A_652 = tpu.vector_load %arg6[%swap3A_650, %swap3A_651] {strides = array<i32>} : memref<8x2048xf32, #tpu.memory_space<vmem>>, vector<16xf32>,
      tpu.vector_store %arg6[%swap3A_650, %swap3A_651], %select_n3A_648 {strides = array<i32>} : memref<8x2048xf32, #tpu.memory_space<vmem>>, vector<16xf32>,
      %reduce_sum3A_653 = arith.constant true
      %reduce_sum3A_654 = vector.broadcast %reduce_sum3A_653 : i1 to vector<16xi1>
      %reduce_sum3A_655 = tpu.scan <sum>, %convert_element_type3A_623 masked %reduce_sum3A_654 : vector<16xi32>, vector<16xi1> -> vector<16xi32>
      %reduce_sum3A_656 = vector.extract %reduce_sum3A_655[15] : i32 from vector<16xi32>
      %add3A_657 = arith.addi %scan3A_305, %reduce_sum3A_656 : i32
      scf.yield %add3A_356, %add3A_399, %add3A_442, %add3A_485, %add3A_528, %add3A_571, %add3A_614, %add3A_657 : i32, i32, i32, i32, i32, i32, i32, i32
    }
    %scan3A_296 = arith.constant 128 : i32
    "tpu.region"() ({
      %run_scoped3A = tpu.sem_alloc : memref<!tpu.dma_semaphore, #tpu.memory_space<semaphore_mem>>
      %dma_start3A = arith.constant 0 : i32
      %dma_start3A_297 = tpu.memref_slice %arg3[%dma_start3A, %mul3A_0] : memref<8x32768xf32, #tpu.memory_space<hbm>> -> memref<8x2048xf32, #tpu.memory_space<hbm>>
      %dma_start3A_298 = arith.constant 0 : i32
      %dma_start3A_299 = tpu.memref_slice %arg3[%dma_start3A_298, %mul3A_0] : memref<8x32768xf32, #tpu.memory_space<hbm>> -> memref<8x2048xf32, #tpu.memory_space<hbm>>
      tpu.enqueue_dma source(%arg6 : memref<8x2048xf32, #tpu.memory_space<vmem>>) target(%dma_start3A_299 : memref<8x2048xf32, #tpu.memory_space<hbm>>) target_semaphore(%run_scoped3A : memref<!tpu.dma_semaphore, #tpu.memory_space<semaphore_mem>>)
      %dma_wait3A = arith.constant 0 : i32
      %dma_wait3A_300 = tpu.memref_slice %arg3[%dma_wait3A, %mul3A_0] : memref<8x32768xf32, #tpu.memory_space<hbm>> -> memref<8x2048xf32, #tpu.memory_space<hbm>>
      %dma_wait3A_301 = arith.constant 0 : i32
      %dma_wait3A_302 = tpu.memref_slice %arg3[%dma_wait3A_301, %mul3A_0] : memref<8x32768xf32, #tpu.memory_space<hbm>> -> memref<8x2048xf32, #tpu.memory_space<hbm>>
      tpu.wait_dma2 semaphore(%run_scoped3A : memref<!tpu.dma_semaphore, #tpu.memory_space<semaphore_mem>>) src(%arg6 : memref<8x2048xf32, #tpu.memory_space<vmem>>) dst(%dma_wait3A_302 : memref<8x2048xf32, #tpu.memory_space<hbm>>)
      tpu.yield
    }) : () -> ()
    return
  }
}

module attributes {stable_mosaic.version = 14 : i64} {
  func.func @_logits_kernel(%arg0: i32, %arg1: memref<4096x768xf32, #tpu.memory_space<vmem>>, %arg2: memref<768x16xf32, #tpu.memory_space<vmem>>, %arg3: memref<8x4096xf32, #tpu.memory_space<vmem>>, %arg4: memref<8x4096xf32, #tpu.memory_space<vmem>>) attributes {dimension_semantics = [#tpu.dimension_semantics<parallel>], iteration_bounds = array<i64: 8>, scalar_prefetch = 0 : i64, scratch_operands = 0 : i64, tpu.core_type = #tpu.core_type<tc>, window_params = [{transform_indices = @transform_0, window_bounds = array<i64: 4096, 768>}, {pipeline_mode = #tpu.pipeline_mode<synchronous>, transform_indices = @transform_1, window_bounds = array<i64: 768, 16>}, {transform_indices = @transform_2, window_bounds = array<i64: 8, 4096>}, {transform_indices = @transform_3, window_bounds = array<i64: 8, 4096>}]} {
    %get3A = arith.constant 0 : index
    %get3A_0 = arith.constant 0 : index
    %get3A_1 = vector.load %arg1[%get3A, %get3A_0] : memref<4096x768xf32, #tpu.memory_space<vmem>>, vector<4096x768xf32>
    %get3A_2 = arith.constant 0 : index
    %get3A_3 = arith.constant 0 : index
    %get3A_4 = vector.load %arg2[%get3A_2, %get3A_3] : memref<768x16xf32, #tpu.memory_space<vmem>>, vector<768x16xf32>
    %dot_general3A = arith.constant dense<0.000000e+00> : vector<4096x16xf32>
    %dot_general3A_5 = tpu.matmul %get3A_1, %get3A_4, %dot_general3A {dimension_numbers = #tpu.dot_dimension_numbers<[1], [0], [0], [1], [0, 0, 1, 1], [], []>, transpose_lhs_hint = false} : vector<4096x768xf32>, vector<768x16xf32>, vector<4096x16xf32> -> vector<4096x16xf32>
    %transpose3A = tpu.transpose %dot_general3A_5, [1, 0] : vector<4096x16xf32> -> vector<16x4096xf32>
    %slice3A = vector.extract_strided_slice %transpose3A {offsets = [0, 0], sizes = [8, 4096], strides = [1, 1]} : vector<16x4096xf32> to vector<8x4096xf32>
    %slice3A_6 = vector.extract_strided_slice %transpose3A {offsets = [8, 0], sizes = [8, 4096], strides = [1, 1]} : vector<16x4096xf32> to vector<8x4096xf32>
    %max3A = arith.constant 0.000000e+00 : f32
    %max3A_7 = vector.broadcast %max3A : f32 to vector<8x4096xf32>
    %max3A_8 = arith.maximumf %slice3A_6, %max3A_7 : vector<8x4096xf32>
    %abs3A = math.absf %slice3A_6 : vector<8x4096xf32>
    %neg3A = arith.constant 0.000000e+00 : f32
    %neg3A_9 = vector.broadcast %neg3A : f32 to vector<8x4096xf32>
    %neg3A_10 = arith.subf %neg3A_9, %abs3A : vector<8x4096xf32>
    %exp3A = math.exp %neg3A_10 : vector<8x4096xf32>
    %log1p3A = math.log1p %exp3A : vector<8x4096xf32>
    %add3A = arith.addf %max3A_8, %log1p3A : vector<8x4096xf32>
    %add3A_11 = arith.constant 0.00999999977 : f32
    %add3A_12 = vector.broadcast %add3A_11 : f32 to vector<8x4096xf32>
    %add3A_13 = arith.addf %add3A, %add3A_12 : vector<8x4096xf32>
    %get3A_14 = arith.constant 0 : index
    %get3A_15 = arith.constant 0 : index
    %get3A_16 = vector.load %arg3[%get3A_14, %get3A_15] : memref<8x4096xf32, #tpu.memory_space<vmem>>, vector<8x4096xf32>
    %mul3A = arith.mulf %get3A_16, %add3A_13 : vector<8x4096xf32>
    %add3A_17 = arith.addf %slice3A, %mul3A : vector<8x4096xf32>
    %swap3A = arith.constant 0 : index
    %swap3A_18 = arith.constant 0 : index
    %swap3A_19 = vector.load %arg4[%swap3A, %swap3A_18] : memref<8x4096xf32, #tpu.memory_space<vmem>>, vector<8x4096xf32>
    tpu.vector_store %arg4[%swap3A, %swap3A_18], %add3A_17 {strides = array<i32>} : memref<8x4096xf32, #tpu.memory_space<vmem>>, vector<8x4096xf32>,
    return
  }
  func.func @transform_0(%arg0: i32) -> (i32, i32) {
    %c0_i32 = arith.constant 0 : i32
    %c0_i32_0 = arith.constant 0 : i32
    return %arg0, %c0_i32 : i32, i32
  }
  func.func @transform_1(%arg0: i32) -> (i32, i32) {
    %c0_i32 = arith.constant 0 : i32
    %c0_i32_0 = arith.constant 0 : i32
    %c0_i32_1 = arith.constant 0 : i32
    return %c0_i32, %c0_i32_0 : i32, i32
  }
  func.func @transform_2(%arg0: i32) -> (i32, i32) {
    %c0_i32 = arith.constant 0 : i32
    %c0_i32_0 = arith.constant 0 : i32
    return %c0_i32, %arg0 : i32, i32
  }
  func.func @transform_3(%arg0: i32) -> (i32, i32) {
    %c0_i32 = arith.constant 0 : i32
    %c0_i32_0 = arith.constant 0 : i32
    return %c0_i32, %arg0 : i32, i32
  }
}

module attributes {stable_mosaic.version = 14 : i64} {
  func.func @_moe_kernel(%arg0: i32, %arg1: memref<2048x768xf32, #tpu.memory_space<vmem>>, %arg2: memref<8x2048xf32, #tpu.memory_space<vmem>>, %arg3: memref<768x1024xbf16, #tpu.memory_space<vmem>>, %arg4: memref<8x128xf32, #tpu.memory_space<vmem>>, %arg5: memref<2048x128xf32, #tpu.memory_space<vmem>>) attributes {dimension_semantics = [#tpu.dimension_semantics<parallel>], iteration_bounds = array<i64: 16>, scalar_prefetch = 0 : i64, scratch_operands = 0 : i64, tpu.core_type = #tpu.core_type<tc>, window_params = [{transform_indices = @transform_0, window_bounds = array<i64: 2048, 768>}, {transform_indices = @transform_1, window_bounds = array<i64: 8, 2048>}, {pipeline_mode = #tpu.pipeline_mode<synchronous>, transform_indices = @transform_2, window_bounds = array<i64: 768, 1024>}, {pipeline_mode = #tpu.pipeline_mode<synchronous>, transform_indices = @transform_3, window_bounds = array<i64: 8, 128>}, {transform_indices = @transform_4, window_bounds = array<i64: 2048, 128>}]} {
    %get3A = arith.constant 0 : index
    %get3A_0 = arith.constant 0 : index
    %get3A_1 = vector.load %arg1[%get3A, %get3A_0] : memref<2048x768xf32, #tpu.memory_space<vmem>>, vector<2048x768xf32>
    %convert_element_type3A = arith.truncf %get3A_1 : vector<2048x768xf32> to vector<2048x768xbf16>
    %get3A_2 = arith.constant 0 : index
    %get3A_3 = arith.constant 0 : index
    %get3A_4 = vector.load %arg3[%get3A_2, %get3A_3] : memref<768x1024xbf16, #tpu.memory_space<vmem>>, vector<768x1024xbf16>
    %dot_general3A = arith.constant dense<0.000000e+00> : vector<2048x1024xf32>
    %dot_general3A_5 = tpu.matmul %convert_element_type3A, %get3A_4, %dot_general3A {dimension_numbers = #tpu.dot_dimension_numbers<[1], [0], [0], [1], [0, 0, 1, 1], [], []>, transpose_lhs_hint = false} : vector<2048x768xbf16>, vector<768x1024xbf16>, vector<2048x1024xf32> -> vector<2048x1024xf32>
    %get3A_6 = arith.constant 0 : index
    %get3A_7 = arith.constant 0 : index
    %get3A_8 = vector.load %arg2[%get3A_6, %get3A_7] : memref<8x2048xf32, #tpu.memory_space<vmem>>, vector<8x2048xf32>
    %transpose3A = tpu.transpose %get3A_8, [1, 0] : vector<8x2048xf32> -> vector<2048x8xf32>
    %get3A_9 = arith.constant 0 : index
    %get3A_10 = arith.constant 0 : index
    %get3A_11 = vector.load %arg4[%get3A_9, %get3A_10] : memref<8x128xf32, #tpu.memory_space<vmem>>, vector<8x128xf32>
    %dot_general3A_12 = arith.constant dense<0.000000e+00> : vector<2048x128xf32>
    %dot_general3A_13 = tpu.matmul %transpose3A, %get3A_11, %dot_general3A_12 {dimension_numbers = #tpu.dot_dimension_numbers<[1], [0], [0], [1], [0, 0, 1, 1], [], []>, transpose_lhs_hint = false} : vector<2048x8xf32>, vector<8x128xf32>, vector<2048x128xf32> -> vector<2048x128xf32>
    %slice3A = vector.extract_strided_slice %dot_general3A_5 {offsets = [0, 0], sizes = [2048, 128], strides = [1, 1]} : vector<2048x1024xf32> to vector<2048x128xf32>
    %slice3A_14 = vector.extract_strided_slice %transpose3A {offsets = [0, 0], sizes = [2048, 1], strides = [1, 1]} : vector<2048x8xf32> to vector<2048x1xf32>
    %mul3A = vector.broadcast %slice3A_14 : vector<2048x1xf32> to vector<2048x128xf32>
    %mul3A_15 = arith.mulf %slice3A, %mul3A : vector<2048x128xf32>
    %add3A = arith.addf %dot_general3A_13, %mul3A_15 : vector<2048x128xf32>
    %slice3A_16 = vector.extract_strided_slice %dot_general3A_5 {offsets = [0, 128], sizes = [2048, 128], strides = [1, 1]} : vector<2048x1024xf32> to vector<2048x128xf32>
    %slice3A_17 = vector.extract_strided_slice %transpose3A {offsets = [0, 1], sizes = [2048, 1], strides = [1, 1]} : vector<2048x8xf32> to vector<2048x1xf32>
    %mul3A_18 = vector.broadcast %slice3A_17 : vector<2048x1xf32> to vector<2048x128xf32>
    %mul3A_19 = arith.mulf %slice3A_16, %mul3A_18 : vector<2048x128xf32>
    %add3A_20 = arith.addf %add3A, %mul3A_19 : vector<2048x128xf32>
    %slice3A_21 = vector.extract_strided_slice %dot_general3A_5 {offsets = [0, 256], sizes = [2048, 128], strides = [1, 1]} : vector<2048x1024xf32> to vector<2048x128xf32>
    %slice3A_22 = vector.extract_strided_slice %transpose3A {offsets = [0, 2], sizes = [2048, 1], strides = [1, 1]} : vector<2048x8xf32> to vector<2048x1xf32>
    %mul3A_23 = vector.broadcast %slice3A_22 : vector<2048x1xf32> to vector<2048x128xf32>
    %mul3A_24 = arith.mulf %slice3A_21, %mul3A_23 : vector<2048x128xf32>
    %add3A_25 = arith.addf %add3A_20, %mul3A_24 : vector<2048x128xf32>
    %slice3A_26 = vector.extract_strided_slice %dot_general3A_5 {offsets = [0, 384], sizes = [2048, 128], strides = [1, 1]} : vector<2048x1024xf32> to vector<2048x128xf32>
    %slice3A_27 = vector.extract_strided_slice %transpose3A {offsets = [0, 3], sizes = [2048, 1], strides = [1, 1]} : vector<2048x8xf32> to vector<2048x1xf32>
    %mul3A_28 = vector.broadcast %slice3A_27 : vector<2048x1xf32> to vector<2048x128xf32>
    %mul3A_29 = arith.mulf %slice3A_26, %mul3A_28 : vector<2048x128xf32>
    %add3A_30 = arith.addf %add3A_25, %mul3A_29 : vector<2048x128xf32>
    %slice3A_31 = vector.extract_strided_slice %dot_general3A_5 {offsets = [0, 512], sizes = [2048, 128], strides = [1, 1]} : vector<2048x1024xf32> to vector<2048x128xf32>
    %slice3A_32 = vector.extract_strided_slice %transpose3A {offsets = [0, 4], sizes = [2048, 1], strides = [1, 1]} : vector<2048x8xf32> to vector<2048x1xf32>
    %mul3A_33 = vector.broadcast %slice3A_32 : vector<2048x1xf32> to vector<2048x128xf32>
    %mul3A_34 = arith.mulf %slice3A_31, %mul3A_33 : vector<2048x128xf32>
    %add3A_35 = arith.addf %add3A_30, %mul3A_34 : vector<2048x128xf32>
    %slice3A_36 = vector.extract_strided_slice %dot_general3A_5 {offsets = [0, 640], sizes = [2048, 128], strides = [1, 1]} : vector<2048x1024xf32> to vector<2048x128xf32>
    %slice3A_37 = vector.extract_strided_slice %transpose3A {offsets = [0, 5], sizes = [2048, 1], strides = [1, 1]} : vector<2048x8xf32> to vector<2048x1xf32>
    %mul3A_38 = vector.broadcast %slice3A_37 : vector<2048x1xf32> to vector<2048x128xf32>
    %mul3A_39 = arith.mulf %slice3A_36, %mul3A_38 : vector<2048x128xf32>
    %add3A_40 = arith.addf %add3A_35, %mul3A_39 : vector<2048x128xf32>
    %slice3A_41 = vector.extract_strided_slice %dot_general3A_5 {offsets = [0, 768], sizes = [2048, 128], strides = [1, 1]} : vector<2048x1024xf32> to vector<2048x128xf32>
    %slice3A_42 = vector.extract_strided_slice %transpose3A {offsets = [0, 6], sizes = [2048, 1], strides = [1, 1]} : vector<2048x8xf32> to vector<2048x1xf32>
    %mul3A_43 = vector.broadcast %slice3A_42 : vector<2048x1xf32> to vector<2048x128xf32>
    %mul3A_44 = arith.mulf %slice3A_41, %mul3A_43 : vector<2048x128xf32>
    %add3A_45 = arith.addf %add3A_40, %mul3A_44 : vector<2048x128xf32>
    %slice3A_46 = vector.extract_strided_slice %dot_general3A_5 {offsets = [0, 896], sizes = [2048, 128], strides = [1, 1]} : vector<2048x1024xf32> to vector<2048x128xf32>
    %slice3A_47 = vector.extract_strided_slice %transpose3A {offsets = [0, 7], sizes = [2048, 1], strides = [1, 1]} : vector<2048x8xf32> to vector<2048x1xf32>
    %mul3A_48 = vector.broadcast %slice3A_47 : vector<2048x1xf32> to vector<2048x128xf32>
    %mul3A_49 = arith.mulf %slice3A_46, %mul3A_48 : vector<2048x128xf32>
    %add3A_50 = arith.addf %add3A_45, %mul3A_49 : vector<2048x128xf32>
    %swap3A = arith.constant 0 : index
    %swap3A_51 = arith.constant 0 : index
    %swap3A_52 = vector.load %arg5[%swap3A, %swap3A_51] : memref<2048x128xf32, #tpu.memory_space<vmem>>, vector<2048x128xf32>
    tpu.vector_store %arg5[%swap3A, %swap3A_51], %add3A_50 {strides = array<i32>} : memref<2048x128xf32, #tpu.memory_space<vmem>>, vector<2048x128xf32>,
    return
  }
  func.func @transform_0(%arg0: i32) -> (i32, i32) {
    %c0_i32 = arith.constant 0 : i32
    %c0_i32_0 = arith.constant 0 : i32
    return %arg0, %c0_i32 : i32, i32
  }
  func.func @transform_1(%arg0: i32) -> (i32, i32) {
    %c0_i32 = arith.constant 0 : i32
    %c0_i32_0 = arith.constant 0 : i32
    return %c0_i32, %arg0 : i32, i32
  }
  func.func @transform_2(%arg0: i32) -> (i32, i32) {
    %c0_i32 = arith.constant 0 : i32
    %c0_i32_0 = arith.constant 0 : i32
    %c0_i32_1 = arith.constant 0 : i32
    return %c0_i32, %c0_i32_0 : i32, i32
  }
  func.func @transform_3(%arg0: i32) -> (i32, i32) {
    %c0_i32 = arith.constant 0 : i32
    %c0_i32_0 = arith.constant 0 : i32
    %c0_i32_1 = arith.constant 0 : i32
    return %c0_i32, %c0_i32_0 : i32, i32
  }
  func.func @transform_4(%arg0: i32) -> (i32, i32) {
    %c0_i32 = arith.constant 0 : i32
    %c0_i32_0 = arith.constant 0 : i32
    return %arg0, %c0_i32 : i32, i32
  }
}

</mosaic_0001>

<sc_bundles>
// kernel: kernel.5.cloned.1.call-start
scs
__scs_entry_jumppad:
0x0: {  	(pc) =	sbr.rel $0x88, $3  }
0x1: {  	(tag) =	ssettag $0x0;
	lr =	simm.s32 $0x1  }
0x2: {  	[smem:$0x3F9C] =	sst lr;
	_ =	strace $0xD0000000  }
0x3: {  	_ = 	snop  }
0x4: {  	_ = 	snop  }
0x5: {  	_ = 	snop  }
0x6: {  	_ = 	snop  }
0x7: {  	_ = 	snop  }
__scs_overlays_trampoline_lowered:
0x8: {  	[smem:$0x3FAB] =	sst s0  }
0x9: {  	[smem:$0x3FAC] =	sst s1  }
0xa: {  	[smem:$0x3FAD] =	sst s2  }
0xb: {  	[smem:$0x3FAE] =	sst s3  }
0xc: {  	[smem:$0x3FAF] =	sst s4  }
0xd: {  	[smem:$0x3FB0] =	sst s5  }
0xe: {  	[smem:$0x3FB1] =	sst s6  }
0xf: {  	[smem:$0x3FB2] =	sst s7  }
0x10: {  	[smem:$0x3FB3] =	sst s8  }
0x11: {  	[smem:$0x3FB4] =	sst s9;
	s0 =	simm.s32 @!p0 $0x0  }
0x12: {  	s1 =	sld [smem:$0x3F9A];
	s0 =	simm.s32 @p0 $0x1  }
0x13: {  	[smem:$0x3FB5] =	sst s0;
	s0 =	simm.s32 @!p1 $0x0  }
0x14: {  	s2 =	sld [smem:$0x3F99];
	s0 =	simm.s32 @p1 $0x1  }
0x15: {  	[smem:$0x3FB6] =	sst s0;
	s0 =	simm.s32 @!p2 $0x0  }
0x16: {  	s3 =	sld [smem:$0x3FDB];
	s0 =	simm.s32 @p2 $0x1  }
0x17: {  	s4 =	simm.s32 $0x1BF5;
	[smem:$0x3FB8] =	sst s0  }
0x18: {  	s0 =	sld [smem:$0x3F9B];
	_ =	swait.ge [sflag:s4], $0x0  }
0x19: {  	s7 =	sld [smem:$0x3F9C]  }
0x1a: {  	s8 =	sadd.s32 $0xFFFFE003, lr  }
0x1b: {  	s9 =	sadd.s32 $0xFFFFFEF7, lr;
	s5 =	simm.s32 $0xFFFFFFFF;
	p2 =	slt.u32 s8, $0xFFFFF086  }
0x1c: {  	p1 =	slt.u32 s9, $0xF7A;
	s5 =	simm.s32 @!p2 $0x0  }
0x1d: {  	s5 =	simm.s32 @p1 $0x1;
	p0 =	seq.s32 s7, s2  }
0x1e: {  	s7 =	smul.u32 @!p0 $0xF7A, s2;
	p2 =	seq.s32 @!p0 s5, $0x0  }
0x1f: {  	s9 =	smul.u32 $0xF7A, s1;
	s8 =	simm.s32 @!p0 $0x1BF5;
	p2 =	por !p2, p0  }
0x20: {  	[sflag:s8] =	ssyncset.s32 @!p0 $0xFFFFF086;
	s6 =	sadd.s32 @!p0 s3, s7;
	s7 =	simm.s32 @!p0 $0x108  }
0x21: {  	s3 =	sadd.s32 s3, s9;
	s6 =	sadd.s32 @!p0 $0x88, s6;
	s7 =	simm.s32 @p2 $0x1082  }
0x22: {  	[simem:s7], [sflag:s8] =	dma.local @!p0 [hbm:s6], $0xF7A  }
0x23: {  	s9 =	sor.u32 $0xD0000000, s2;
	s6 =	simm.s32 $0x108;
	_ =	swait.ge @!p0 [sflag:s8], $0x0  }
0x24: {  	s3 =	sadd.s32 $0x88, s3;
	s6 =	simm.s32 @!p1 $0x1082;
	[sflag:s4] =	ssyncset.s32 $0xFFFFF086  }
0x25: {  	[simem:s6], [sflag:s4] =	dma.local [hbm:s3], $0xF7A  }
0x26: {  	[smem:$0x3F9C] =	sst s1;
	(tag) =	ssettag s2;
	_ =	strace s9  }
0x27: {  	s1 =	sld [smem:$0x3FAC]  }
0x28: {  	s2 =	sld [smem:$0x3FAD]  }
0x29: {  	s4 =	sld [smem:$0x3FAF]  }
0x2a: {  	p0 =	seq.s32 s5, $0x0;
	s5 =	sld [smem:$0x3FB0]  }
0x2b: {  	s6 =	sld [smem:$0x3FB1]  }
0x2c: {  	s7 =	sld [smem:$0x3FB2]  }
0x2d: {  	s3 =	simm.s32 $0x108;
	s8 =	sld [smem:$0x3FB3]  }
0x2e: {  	s3 =	simm.s32 @!p0 $0x1082;
	s9 =	sld [smem:$0x3FB4]  }
0x2f: {  	lr =	sadd.s32 s0, s3;
	s0 =	sld [smem:$0x3FAB]  }
0x30: {  	s3 =	sld [smem:$0x3FAE]  }
0x31: {  	[smem:$0x3FB7] =	sst s10  }
0x32: {  	s10 =	sld [smem:$0x3FB5];
	_ =	sdelay $0x3  }
0x33: {  	p0 =	seq.s32 s10, $0x1;
	s10 =	sld [smem:$0x3FB7];
	_ =	sdelay $0x3  }
0x34: {  	[smem:$0x3FB7] =	sst s10  }
0x35: {  	s10 =	sld [smem:$0x3FB6];
	_ =	sdelay $0x3  }
0x36: {  	p1 =	seq.s32 s10, $0x1;
	s10 =	sld [smem:$0x3FB7];
	_ =	sdelay $0x3  }
0x37: {  	[smem:$0x3FB7] =	sst s10  }
0x38: {  	s10 =	sld [smem:$0x3FB8]  }
0x39: {  	_ = 	snop;
	(pc) =	sbr.ind lr, $3  }
0x3a: {  	_ = 	snop  }
0x3b: {  	_ = 	snop  }
0x3c: {  	p2 =	seq.s32 s10, $0x1;
	s10 =	sld [smem:$0x3FB7]  }
0x3d: {  	_ =	shalt  }
0x3e: {  	_ =	shalt  }
0x3f: {  	_ =	shalt  }
0x40: {  	_ =	shalt  }
0x41: {  	_ =	shalt  }
0x42: {  	_ =	shalt  }
0x43: {  	_ =	shalt  }
0x44: {  	_ =	shalt  }
0x45: {  	_ =	shalt  }
0x46: {  	_ =	shalt  }
0x47: {  	_ =	shalt  }
0x48: {  	_ =	shalt  }
0x49: {  	_ =	shalt  }
0x4a: {  	_ =	shalt  }
0x4b: {  	_ =	shalt  }
0x4c: {  	_ =	shalt  }
0x4d: {  	_ =	shalt  }
0x4e: {  	_ =	shalt  }
0x4f: {  	_ =	shalt  }
0x50: {  	_ =	shalt  }
0x51: {  	_ =	shalt  }
0x52: {  	_ =	shalt  }
0x53: {  	_ =	shalt  }
0x54: {  	_ =	shalt  }
0x55: {  	_ =	shalt  }
0x56: {  	_ =	shalt  }
0x57: {  	_ =	shalt  }
0x58: {  	_ =	shalt  }
0x59: {  	_ =	shalt  }
0x5a: {  	_ =	shalt  }
0x5b: {  	_ =	shalt  }
0x5c: {  	_ =	shalt  }
0x5d: {  	_ =	shalt  }
0x5e: {  	_ =	shalt  }
0x5f: {  	_ =	shalt  }
0x60: {  	_ =	shalt  }
0x61: {  	_ =	shalt  }
0x62: {  	_ =	shalt  }
0x63: {  	_ =	shalt  }
0x64: {  	_ =	shalt  }
0x65: {  	_ =	shalt  }
0x66: {  	_ =	shalt  }
0x67: {  	_ =	shalt  }
0x68: {  	_ =	shalt  }
0x69: {  	_ =	shalt  }
0x6a: {  	_ =	shalt  }
0x6b: {  	_ =	shalt  }
0x6c: {  	_ =	shalt  }
0x6d: {  	_ =	shalt  }
0x6e: {  	_ =	shalt  }
0x6f: {  	_ =	shalt  }
0x70: {  	_ =	shalt  }
0x71: {  	_ =	shalt  }
0x72: {  	_ =	shalt  }
0x73: {  	_ =	shalt  }
0x74: {  	_ =	shalt  }
0x75: {  	_ =	shalt  }
0x76: {  	_ =	shalt  }
0x77: {  	_ =	shalt  }
0x78: {  	_ =	shalt  }
0x79: {  	_ =	shalt  }
0x7a: {  	_ =	shalt  }
0x7b: {  	_ =	shalt  }
0x7c: {  	_ =	shalt  }
0x7d: {  	_ =	shalt  }
0x7e: {  	_ =	shalt  }
0x7f: {  	_ =	shalt  }
0x80: {  	_ =	shalt  }
0x81: {  	_ =	shalt  }
0x82: {  	_ =	shalt  }
0x83: {  	_ =	shalt  }
0x84: {  	_ =	shalt  }
0x85: {  	_ =	shalt  }
0x86: {  	_ =	shalt  }
0x87: {  	_ =	shalt  }
.Lfunc_end0:
.L_simem_size_0:
called_computation_lowered:
.L_overlay_start_0:
0x88: {  	s0 =	sld [smem:$0x3FD9]  }
0x89: {  	s1 =	sld [smem:$0x3FFE];
	_ =	sdelay $0x3  }
0x8a: {  	s0 =	sadd.s32 s1, s0  }
0x8b: {  	[smem:$0x3FC3] =	sst s0  }
0x8c: {  	_ = 	snop  }
0x8d: {  	s0 =	sld [smem:$0x3FD0];
	(tm) =	ssettm $0x1  }
0x8e: {  	s16 =	sld [smem:$0x3FFB];
	_ =	sdelay $0x3  }
0x8f: {  	_ =	strace s16  }
0x90: {  	s1 =	sld [smem:$0x3FFC];
	_ =	sdelay $0x3  }
0x91: {  	_ =	strace s1  }
0x92: {  	s1 =	sld [smem:$0x3FFD];
	_ =	sdelay $0x3  }
0x93: {  	_ =	strace s1  }
0x94: {  	_ =	strace $0x8FFFFFFF  }
0x95: {  	s17 =	sld [smem:$0x3FDB];
	_ =	sdelay $0x1  }
0x96: {  	s2 =	simm.s32 $_scs_section_size  }
0x97: {  	s3 =	simm.s32 $_size__tile_overlayer_lowered;
	s4 =	simm.s32 $_tile_overlayer_lowered  }
0x98: {  	s20 =	simm.s32 $0x1BFF;
	s19 =	sshll.u32 s4, $0x1;
	s1 =	sadd.s32 s2, s17  }
0x99: {  	s5 =	simm.s32 $0x0;
	s18 =	sshll.u32 s3, $0x1;
	s3 =	sadd.s32 s19, s1  }
0x9a: {  	[timem:s5], [sflag:s20] =	dma.local [hbm:s3], s18  }
0x9b: {  	_ =	swait.ge [sflag:s20], s18  }
0x9c: {  	s2 =	ssub.s32 $0x0, s18;
	[sflag:s20] =	ssyncset.done $0x0  }
0x9d: {  	[sflag:s20] =	ssyncadd.s32 s2;
	_ =	sdelay $0x1  }
0x9e: {  	s21 =	simm.s32 $0x1B8B  }
0x9f: {  	_ =	swait.ge [sflag:s21], $0x1  }
0xa0: {  	[sflag:s21] =	ssyncset.done $0x0  }
0xa1: {  	s23 =	simm.s32 $0x1B8E;
	s22 =	sld [smem:$0x3FFE];
	[sflag:s21] =	ssyncadd.s32 $0xFFFFFFFF  }
0xa2: {  	s24 =	simm.s32 $execute0_lowered;
	[smem:$0x3FD2] =	sst s23  }
0xa3: {  	s3 =	sshll.u32 s24, $0x1;
	_ =	strace $0x80000046;
	[dreg:$0x1] =	wrdreg $0xFFFFFFFF  }
0xa4: {  	s25 =	simm.s32 $_size_execute0_lowered;
	s1 =	sadd.s32 s1, s3;
	[dreg:$0x0] =	wrdreg $0x0  }
0xa5: {  	s3 =	sshll.u32 s25, $0x1;
	[dreg:$0x2] =	wrdreg s1  }
0xa6: {  	[dreg:$0x3] =	wrdreg s3  }
0xa7: {  	[dreg:$0x4] =	wrdreg $0xC0  }
0xa8: {  	_ =	task [dreg:s5], $0x5FFFF  }
0xa9: {  	[dreg:$0x1] =	wrdreg $0xFFFFFFFF  }
0xaa: {  	[dreg:$0x0] =	wrdreg $0x60  }
0xab: {  	[dreg:$0x2] =	wrdreg s0  }
0xac: {  	[dreg:$0x3] =	wrdreg s22  }
0xad: {  	[dreg:$0x4] =	wrdreg $0x9  }
0xae: {  	_ =	task.clear_ibuf [dreg:s5], $0x5FFFF;
	_ =	strace $0x90000046  }
0xaf: {  	s26 =	simm.s32 $0x9;
	_ =	strace $0x80000048  }
0xb0: {  	_ =	swait.ge [sflag:s26], $0x1  }
0xb1: {  	[sflag:s26] =	ssyncadd.s32 $0xFFFFFFFF  }
0xb2: {  	_ =	strace $0x90000048  }
0xb3: {  	_ =	sfence  }
0xb4: {  	s28 =	sld [smem:$0x0];
	_ =	sdelay $0x1  }
0xb5: {  	s29 =	srdreg.scid  }
0xb6: {  	s30 =	sshll.u32 s29, $0xD;
	s31 =	sshrl.u32 s29, $0x2  }
0xb7: {  	s2 =	sand.u32 $0x4000, s30;
	s1 =	sand.u32 $0x1, s29;
	s0 =	sadd.s32 s31, s28  }
0xb8: {  	s1 =	sor.u32 s2, s1;
	s0 =	sshll.u32 s0, $0x11  }
0xb9: {  	s0 =	sor.u32 s0, s1  }
0xba: {  	s0 =	sadd.s32 $0x8F2B, s0  }
0xbb: {  	[sflag:s0] =	ssyncadd.remote.s32 $0x1  }
0xbc: {  	_ =	sfence.sel $0xFFFF  }
0xbd: {  	[dreg:$0x0] =	wrdreg $0xFFFFFFFF;
	(pc) =	sbr.abs _section_cstart, $3  }
0xbe: {  	[dreg:$0x1] =	wrdreg $0xFFFFFFFF  }
0xbf: {  	_ =	task.clear_ibuf [dreg:s5], $0x2FFFF;
	_ =	strace $0x9FFFFFFF  }
0xc0: {  	(tm) =	ssettm $0x7FFFFFFF  }
0xc1: {  	_ =	shalt  }
tec
execute0_lowered:
.L_overlay_start_1:
0x0: {  	(tag) =	ssettag $0x1  }
0x1: {  	s3 =	rddreg [dreg:$0x0]  }
0x2: {  	s4 =	rddreg [dreg:$0x1]  }
0x3: {  	s0 =	rddreg [dreg:$0x2];
	s5 =	simm.s32 $0x0;
	s1 =	stileid.u32  }
0x4: {  	[smem:$0x7FF] =	sst s5;
	s2 =	sshll.u32 s1, $0xB  }
0x5: {  	s29 =	simm.s32 $0x1;
	_ =	strace $0x80000047;
	s3 =	sadd.s32 s3, s2  }
0x6: {  	[tilespmem:s5], [sflag:$0x1] =	stream.linear.gather [hbm4b:s3+s5], $0x4000, $0x38;
	[tilespmem:$0xA880] =	vst v63  }
0x7: {  	_ =	swait.ge [sflag:s29], $0x4000  }
0x8: {  	s6 =	sand.u32 $0x70, s5;
	s5 =	sand.u32 $0x3C00, s5;
	[sflag:s29] =	ssyncset.done $0x0  }
0x9: {  	s30 =	sor.u32 s6, s5;
	[sflag:s29] =	ssyncadd.s32 $0xFFFFC000  }
0xa: {  	v0 =	vld [tilespmem:s30+$0x0]  }
0xb: {  	v2 =	vld [tilespmem:s30+$0x80]  }
0xc: {  	v3 =	vld [tilespmem:s30+$0x100]  }
0xd: {  	v4 =	vld [tilespmem:s30+$0x180]  }
0xe: {  	v5 =	vld [tilespmem:s30+$0x200]  }
0xf: {  	v6 =	vld [tilespmem:s30+$0x280]  }
0x10: {  	v7 =	vld [tilespmem:s30+$0x300];
	v1 =	vmax.f32 v0, v2  }
0x11: {  	v8 =	vld [tilespmem:s30+$0x380];
	v1 =	vmax.f32 v1, v3  }
0x12: {  	v1 =	vmax.f32 v1, v4  }
0x13: {  	v1 =	vmax.f32 v1, v5  }
0x14: {  	v1 =	vmax.f32 v1, v6  }
0x15: {  	v1 =	vmax.f32 v1, v7  }
0x16: {  	v9 =	vmax.f32 v1, v8  }
0x17: {  	v1 =	vimm.s32 $0x8;
	vm0 =	veq.f32 v8, v9  }
0x18: {  	v10 =	vsel vm0, $0x7, v1;
	vm0 =	veq.f32 v7, v9  }
0x19: {  	v10 =	vsel vm0, $0x6, v10;
	vm0 =	veq.f32 v6, v9  }
0x1a: {  	v10 =	vsel vm0, $0x5, v10;
	vm0 =	veq.f32 v5, v9  }
0x1b: {  	vm1 =	veq.f32 v4, v9;
	v10 =	vsel vm0, $0x4, v10  }
0x1c: {  	vm0 =	veq.f32 v3, v9;
	v10 =	vsel vm1, $0x3, v10  }
0x1d: {  	vm1 =	veq.f32 v2, v9;
	v10 =	vsel vm0, $0x2, v10  }
0x1e: {  	vm5 =	veq.f32 v0, v9;
	vm0 =	vne.f32 v0, v9;
	v10 =	vsel vm1, $0x1, v10  }
0x1f: {  	vm3 =	vmand vm0, vm1;
	v10 =	vsel vm5, $0x0, v10  }
0x20: {  	v11 =	vsel vm5, $0xFF800000, v0;
	v0 =	vsel vm3, $0xFF800000, v2;
	vm0 =	veq.s32 v10, $0x2  }
0x21: {  	vm1 =	veq.s32 v10, $0x3;
	v2 =	vsel vm0, $0xFF800000, v3;
	v3 =	vmax.f32 v11, v0  }
0x22: {  	vm6 =	veq.s32 v10, $0x4;
	v4 =	vsel vm1, $0xFF800000, v4;
	v3 =	vmax.f32 v3, v2  }
0x23: {  	vm4 =	veq.s32 v10, $0x5;
	v5 =	vsel vm6, $0xFF800000, v5;
	v3 =	vmax.f32 v3, v4  }
0x24: {  	vm2 =	veq.s32 v10, $0x6;
	v6 =	vsel vm4, $0xFF800000, v6;
	v3 =	vmax.f32 v3, v5  }
0x25: {  	vm7 =	veq.s32 v10, $0x7;
	v7 =	vsel vm2, $0xFF800000, v7;
	v3 =	vmax.f32 v3, v6  }
0x26: {  	v8 =	vsel vm7, $0xFF800000, v8;
	v3 =	vmax.f32 v3, v7  }
0x27: {  	v3 =	vmax.f32 v3, v8  }
0x28: {  	v9 =	vsub.f32 v3, v9;
	_ =	sdelay $0x1  }
0x29: {  	v9 =	vmul.f32 $1.442695020e+00, v9;
	_ =	sdelay $0x1  }
0x2a: {  	(erf) = vpow2.f32 v9;
	_ =	sdelay $0x8  }
0x2b: {  	v9 =	vpop (erf)  }
0x2c: {  	v12 =	vadd.f32 $1.000000000e+00, v9;
	_ =	sdelay $0x1  }
0x2d: {  	(erf) = vrcp.f32 v12  }
0x2e: {  	vm8 =	veq.f32 v8, v3  }
0x2f: {  	vm9 =	veq.f32 v7, v3;
	v7 =	vsel vm8, $0x7, v1  }
0x30: {  	vm8 =	veq.f32 v6, v3;
	v6 =	vsel vm9, $0x6, v7  }
0x31: {  	vm9 =	veq.f32 v5, v3;
	v5 =	vsel vm8, $0x5, v6  }
0x32: {  	vm10 =	veq.f32 v11, v3;
	vm8 =	veq.f32 v4, v3;
	v4 =	vsel vm9, $0x4, v5  }
0x33: {  	v8 =	vimm.s32 $0x0;
	vm9 =	veq.f32 v2, v3;
	v2 =	vsel vm8, $0x3, v4  }
0x34: {  	v6 =	vimm.s32 $0x0;
	v5 =	vimm.s32 $0x0;
	vm8 =	veq.f32 v0, v3  }
0x35: {  	v0 =	vsel vm9, $0x2, v2;
	vm9 =	vne.f32 v11, v3;
	v3 =	vimm.s32 $0x0  }
0x36: {  	s31 =	simm.s32 $0x8800;
	s8 =	simm.s32 $0x9000;
	v4 =	vsel vm8, $0x1, v0;
	v0 =	vimm.s32 $0x0;
	vm12 =	vmand vm9, vm8;
	v2 =	vpop (erf)  }
0x37: {  	s9 =	simm.s32 $0x9800;
	s11 =	simm.s32 $0x10;
	s5 =	simm.s32 $0x8000;
	v11 =	vsel vm10, $0x0, v4;
	v4 =	vimm.s32 $0x0;
	v7 =	vmul.f32 v2, v9  }
0x38: {  	s14 =	simm.s32 $0x20;
	s10 =	simm.s32 $0x80;
	s7 =	simm.s32 $0x9010;
	vm11 =	veq.s32 v11, $0x3;
	vm9 =	veq.s32 v11, $0x5;
	[tilespmem:s5+$0x0] =	vst v2;
	v2 =	vimm.s32 $0x0  }
0x39: {  	s12 =	sand.u32 $0x70, s11;
	s15 =	sand.u32 $0x3C00, s10;
	s3 =	sadd.s32 $0x1400, s4;
	v9 =	vimm.s32 $0x0;
	vm8 =	vgt.f32 v7, $0.0e+00;
	[tilespmem:s31+$0x0] =	vst v7;
	v7 =	vimm.s32 $0x0  }
0x3a: {  	s4 =	sadd.s32 $0x1200, s4;
	s6 =	simm.s32 $0x9810;
	vm13 =	vmand vm10, vm8;
	vm10 =	vmand vm12, vm8;
	vm12 =	veq.s32 v11, $0x6;
	[tilespmem:s8+$0x0] =	vst v10;
	s8 =	simm.s32 $0x8810  }
.LBB2_1:
0x3b: {  	s15 =	sor.u32 s12, s15;
	s5 =	sadd.s32 $0x10, s5;
	s12 =	smov.u32 s14  }
0x3c: {  	[tilespmem:s9+$0x0] =	vst v11;
	vm11 =	vmand vm8, vm11;
	vm14 =	veq.s32 v11, $0x4;
	vm15 =	veq.s32 v11, $0x7;
	s11 =	sadd.s32 $0x10, s14;
	s13 =	smov.u32 s7;
	s9 =	smov.u32 s6  }
0x3d: {  	p0 =	sne.s32 s14, $0x7F0;
	vm5 =	vmor vm5, vm13;
	v10 =	vld [tilespmem:s15+$0x100];
	vm13 =	vmand vm8, vm14;
	vm14 =	vmand vm8, vm15  }
0x3e: {  	v13 =	vsel vm5, $0x1, v0;
	vm5 =	vmand vm8, vm12;
	v12 =	vld [tilespmem:s15+$0x0];
	vm7 =	vmor vm7, vm14  }
0x3f: {  	vm3 =	vmor vm3, vm10;
	vm10 =	veq.s32 v11, $0x2;
	v6 =	vadd.s32 v13, v6;
	v14 =	vld [tilespmem:s15+$0x80]  }
0x40: {  	v11 =	vsel vm3, $0x1, v0;
	vm3 =	vmor vm6, vm13;
	vm6 =	vmand vm8, vm9  }
0x41: {  	vm8 =	vmand vm8, vm10;
	vm2 =	vmor vm2, vm5;
	vm4 =	vmor vm4, vm6;
	v13 =	vld [tilespmem:s15+$0x180]  }
0x42: {  	vm1 =	vmor vm1, vm11;
	v5 =	vadd.s32 v11, v5;
	v11 =	vsel vm4, $0x1, v0;
	v15 =	vld [tilespmem:s15+$0x200]  }
0x43: {  	v17 =	vsel vm1, $0x1, v0;
	vm0 =	vmor vm0, vm8;
	v18 =	vsel vm7, $0x1, v0;
	v16 =	vld [tilespmem:s15+$0x280]  }
0x44: {  	v21 =	vsel vm2, $0x1, v0;
	v2 =	vadd.s32 v18, v2;
	v19 =	vld [tilespmem:s15+$0x300];
	v20 =	vmax.f32 v12, v14  }
0x45: {  	v8 =	vadd.s32 v17, v8;
	v17 =	vsel vm3, $0x1, v0;
	v18 =	vld [tilespmem:s15+$0x380];
	v20 =	vmax.f32 v20, v10  }
0x46: {  	v7 =	vadd.s32 v17, v7;
	v9 =	vadd.s32 v21, v9;
	v20 =	vmax.f32 v20, v13  }
0x47: {  	v4 =	vadd.s32 v11, v4;
	v17 =	vmax.f32 v20, v15;
	v20 =	vsel vm0, $0x1, v0  }
0x48: {  	v11 =	vmax.f32 v17, v16;
	v3 =	vadd.s32 v20, v3  }
0x49: {  	v11 =	vmax.f32 v11, v19  }
0x4a: {  	v11 =	vmax.f32 v11, v18  }
0x4b: {  	vm0 =	veq.f32 v18, v11;
	vm1 =	veq.f32 v13, v11;
	vm2 =	veq.f32 v10, v11  }
0x4c: {  	vm3 =	veq.f32 v14, v11;
	v17 =	vsel vm0, $0x7, v1;
	vm0 =	veq.f32 v19, v11  }
0x4d: {  	vm4 =	vne.f32 v12, v11;
	v17 =	vsel vm0, $0x6, v17;
	vm0 =	veq.f32 v16, v11  }
0x4e: {  	v17 =	vsel vm0, $0x5, v17;
	vm0 =	veq.f32 v15, v11  }
0x4f: {  	v17 =	vsel vm0, $0x4, v17  }
0x50: {  	v17 =	vsel vm1, $0x3, v17  }
0x51: {  	v17 =	vsel vm2, $0x2, v17  }
0x52: {  	vm5 =	veq.f32 v12, v11;
	v17 =	vsel vm3, $0x1, v17  }
0x53: {  	v12 =	vsel vm5, $0xFF800000, v12;
	vm3 =	vmand vm4, vm3;
	v17 =	vsel vm5, $0x0, v17  }
0x54: {  	v14 =	vsel vm3, $0xFF800000, v14;
	vm0 =	veq.s32 v17, $0x2;
	vm1 =	veq.s32 v17, $0x3  }
0x55: {  	vm2 =	veq.s32 v17, $0x6;
	v20 =	vmax.f32 v12, v14;
	v10 =	vsel vm0, $0xFF800000, v10  }
0x56: {  	vm6 =	veq.s32 v17, $0x4;
	v13 =	vsel vm1, $0xFF800000, v13;
	v20 =	vmax.f32 v20, v10  }
0x57: {  	vm4 =	veq.s32 v17, $0x5;
	v15 =	vsel vm6, $0xFF800000, v15;
	v20 =	vmax.f32 v20, v13  }
0x58: {  	v16 =	vsel vm4, $0xFF800000, v16;
	v20 =	vmax.f32 v20, v15  }
0x59: {  	vm7 =	veq.s32 v17, $0x7;
	v19 =	vsel vm2, $0xFF800000, v19;
	v20 =	vmax.f32 v20, v16  }
0x5a: {  	v18 =	vsel vm7, $0xFF800000, v18;
	v20 =	vmax.f32 v20, v19  }
0x5b: {  	v20 =	vmax.f32 v20, v18  }
0x5c: {  	vm8 =	veq.f32 v18, v20;
	vm9 =	veq.f32 v19, v20;
	v11 =	vsub.f32 v20, v11  }
0x5d: {  	vm10 =	veq.f32 v15, v20;
	v18 =	vsel vm8, $0x7, v1;
	vm8 =	veq.f32 v16, v20  }
0x5e: {  	vm11 =	veq.f32 v13, v20;
	v15 =	vsel vm9, $0x6, v18;
	v11 =	vmul.f32 $1.442695020e+00, v11  }
0x5f: {  	vm12 =	veq.f32 v10, v20;
	v13 =	vsel vm8, $0x5, v15;
	vm8 =	veq.f32 v14, v20  }
0x60: {  	vm9 =	vne.f32 v12, v20;
	v10 =	vsel vm10, $0x4, v13;
	(erf) = vpow2.f32 v11  }
0x61: {  	v10 =	vsel vm11, $0x3, v10  }
0x62: {  	v10 =	vsel vm12, $0x2, v10  }
0x63: {  	v10 =	vsel vm8, $0x1, v10;
	_ =	sdelay $0x5  }
0x64: {  	v11 =	vpop (erf)  }
0x65: {  	v13 =	vadd.f32 $1.000000000e+00, v11;
	_ =	sdelay $0x1  }
0x66: {  	(erf) = vrcp.f32 v13;
	_ =	sdelay $0x8  }
.Ltmp0:
0x67: {  	v13 =	vpop (erf);
	(pc) =	sbr.rel @p0 .LBB2_1-.Ltmp0, $4  }
0x68: {  	vm10 =	veq.f32 v12, v20;
	v12 =	vmul.f32 v13, v11;
	[tilespmem:s5+$0x0] =	vst v13  }
0x69: {  	s10 =	sadd.s32 $0x80, s10;
	vm12 =	vmand vm9, vm8;
	v11 =	vsel vm10, $0x0, v10  }
0x6a: {  	s7 =	sadd.s32 $0x10, s7;
	s6 =	sadd.s32 $0x10, s6;
	s12 =	sand.u32 $0x70, s12;
	vm11 =	veq.s32 v11, $0x3;
	vm9 =	veq.s32 v11, $0x5;
	[tilespmem:s8+$0x0] =	vst v12;
	vm8 =	vgt.f32 v12, $0.0e+00  }
0x6b: {  	s14 =	smov.u32 s11;
	s15 =	sand.u32 $0x3C00, s10;
	s8 =	sadd.s32 $0x10, s8;
	[tilespmem:s13+$0x0] =	vst v17;
	vm13 =	vmand vm10, vm8;
	vm10 =	vmand vm12, vm8;
	vm12 =	veq.s32 v11, $0x6  }
0x6c: {  	s10 =	sor.u32 s12, s15;
	[tilespmem:s9+$0x0] =	vst v11  }
0x6d: {  	v12 =	vld [tilespmem:s10+$0x0]  }
0x6e: {  	v13 =	vld [tilespmem:s10+$0x80]  }
0x6f: {  	v14 =	vld [tilespmem:s10+$0x100]  }
0x70: {  	v15 =	vld [tilespmem:s10+$0x180]  }
0x71: {  	v16 =	vld [tilespmem:s10+$0x200]  }
0x72: {  	v17 =	vld [tilespmem:s10+$0x280]  }
0x73: {  	v18 =	vld [tilespmem:s10+$0x300];
	v10 =	vmax.f32 v12, v13  }
0x74: {  	v19 =	vld [tilespmem:s10+$0x380];
	v10 =	vmax.f32 v10, v14  }
0x75: {  	v10 =	vmax.f32 v10, v15  }
0x76: {  	v10 =	vmax.f32 v10, v16  }
0x77: {  	v10 =	vmax.f32 v10, v17  }
0x78: {  	v10 =	vmax.f32 v10, v18  }
0x79: {  	v20 =	vmax.f32 v10, v19  }
0x7a: {  	vm14 =	veq.f32 v19, v20  }
0x7b: {  	v10 =	vsel vm14, $0x7, v1;
	vm14 =	veq.f32 v18, v20  }
0x7c: {  	v10 =	vsel vm14, $0x6, v10;
	vm14 =	veq.f32 v17, v20  }
0x7d: {  	v21 =	vimm.s32 $0x0;
	v10 =	vsel vm14, $0x5, v10;
	vm14 =	veq.f32 v16, v20  }
0x7e: {  	v49 =	vimm.s32 $0x0;
	vm15 =	veq.f32 v15, v20;
	v10 =	vsel vm14, $0x4, v10  }
0x7f: {  	vm14 =	veq.f32 v14, v20;
	v10 =	vsel vm15, $0x3, v10;
	vm15 =	veq.f32 v13, v20  }
0x80: {  	v21 =	vsel vm15, $0xFFFFFFFF, v21;
	v10 =	vsel vm14, $0x2, v10;
	vm14 =	vne.f32 v12, v20  }
0x81: {  	v50 =	vimm.s32 $0x0;
	[tilespmem:$0x1FF30] =	vst v21;
	v21 =	vsel vm14, $0xFFFFFFFF, v49;
	vm14 =	veq.f32 v12, v20  }
0x82: {  	[tilespmem:$0x1FF20] =	vst v21;
	v21 =	vsel vm14, $0xFFFFFFFF, v50;
	v52 =	vld [tilespmem:$0x1FF30]  }
0x83: {  	[tilespmem:$0x1FF40] =	vst v21;
	v51 =	vld [tilespmem:$0x1FF20]  }
0x84: {  	v54 =	vld [tilespmem:$0x1FF40];
	_ =	sdelay $0x1  }
0x85: {  	v53 =	vimm.s32 $0x0  }
0x86: {  	v55 =	vimm.s32 $0x0;
	v22 =	vimm.s32 $0x0;
	v57 =	vimm.s32 $0x0  }
0x87: {  	v10 =	vsel vm15, $0x1, v10;
	vm14 =	vnez.u8 v52;
	vm15 =	vnez.u8 v51  }
0x88: {  	v58 =	vimm.s32 $0x0;
	vm15 =	vmand vm15, vm14;
	vm14 =	vnez.u8 v54  }
0x89: {  	v10 =	vsel vm14, $0x0, v10;
	v12 =	vsel vm14, $0xFF800000, v12;
	v13 =	vsel vm15, $0xFF800000, v13  }
0x8a: {  	v21 =	vsel vm15, $0xFFFFFFFF, v53;
	vm14 =	veq.s32 v10, $0x2;
	v56 =	vmax.f32 v12, v13  }
0x8b: {  	[tilespmem:$0x1FF50] =	vst v21;
	v21 =	vsel vm14, $0xFFFFFFFF, v55;
	v14 =	vsel vm14, $0xFF800000, v14;
	vm14 =	veq.s32 v10, $0x3  }
0x8c: {  	[tilespmem:$0x1FF60] =	vst v21;
	v22 =	vsel vm14, $0xFFFFFFFF, v22;
	v15 =	vsel vm14, $0xFF800000, v15;
	vm14 =	veq.s32 v10, $0x4  }
0x8d: {  	v59 =	vimm.s32 $0x0;
	v21 =	vmax.f32 v56, v14;
	[tilespmem:$0x1FF70] =	vst v22;
	v22 =	vsel vm14, $0xFFFFFFFF, v57  }
0x8e: {  	v16 =	vsel vm14, $0xFF800000, v16;
	v21 =	vmax.f32 v21, v15;
	vm14 =	veq.s32 v10, $0x5  }
0x8f: {  	[tilespmem:$0x1FF80] =	vst v22;
	v22 =	vsel vm14, $0xFFFFFFFF, v58;
	v17 =	vsel vm14, $0xFF800000, v17;
	vm14 =	veq.s32 v10, $0x6  }
0x90: {  	v21 =	vmax.f32 v21, v16;
	[tilespmem:$0x1FF90] =	vst v22;
	v22 =	vsel vm14, $0xFFFFFFFF, v59  }
0x91: {  	v18 =	vsel vm14, $0xFF800000, v18;
	v21 =	vmax.f32 v21, v17;
	vm14 =	veq.s32 v10, $0x7  }
0x92: {  	v19 =	vsel vm14, $0xFF800000, v19;
	v21 =	vmax.f32 v21, v18  }
0x93: {  	v21 =	vmax.f32 v21, v19  }
0x94: {  	v20 =	vsub.f32 v21, v20;
	_ =	sdelay $0x1  }
0x95: {  	v20 =	vmul.f32 $1.442695020e+00, v20;
	_ =	sdelay $0x1  }
0x96: {  	(erf) = vpow2.f32 v20;
	_ =	sdelay $0x6  }
0x97: {  	v60 =	vimm.s32 $0x0  }
0x98: {  	vm3 =	vmor vm3, vm10;
	vm10 =	vmand vm8, vm11;
	vm11 =	vmand vm8, vm12  }
0x99: {  	vm12 =	veq.s32 v11, $0x2;
	vm9 =	vmand vm8, vm9;
	vm15 =	veq.s32 v11, $0x7;
	v20 =	vpop (erf)  }
0x9a: {  	[tilespmem:$0x1FFA0] =	vst v22;
	v22 =	vsel vm14, $0xFFFFFFFF, v60;
	vm14 =	veq.s32 v11, $0x4;
	v11 =	vadd.f32 $1.000000000e+00, v20  }
0x9b: {  	vm5 =	vmor vm5, vm13;
	vm4 =	vmor vm4, vm9;
	vm1 =	vmor vm1, vm10  }
0x9c: {  	vm2 =	vmor vm2, vm11;
	vm13 =	vmand vm8, vm14;
	(erf) = vrcp.f32 v11  }
0x9d: {  	vm14 =	vmand vm8, vm15;
	vm8 =	vmand vm8, vm12;
	vm6 =	vmor vm6, vm13  }
0x9e: {  	vm0 =	vmor vm0, vm8;
	v11 =	vsel vm1, $0x1, v0;
	vm1 =	veq.f32 v19, v21  }
0x9f: {  	v8 =	vadd.s32 v11, v8;
	v11 =	vsel vm6, $0x1, v0;
	v1 =	vsel vm1, $0x7, v1  }
0xa0: {  	vm1 =	veq.f32 v18, v21;
	v7 =	vadd.s32 v11, v7;
	v11 =	vsel vm2, $0x1, v0  }
0xa1: {  	v1 =	vsel vm1, $0x6, v1;
	vm1 =	veq.f32 v17, v21;
	vm2 =	veq.f32 v16, v21  }
0xa2: {  	v9 =	vadd.s32 v11, v9;
	v11 =	vsel vm4, $0x1, v0;
	v1 =	vsel vm1, $0x5, v1  }
0xa3: {  	v63 =	vsel vm0, $0x1, v0;
	vm0 =	veq.f32 v15, v21;
	v1 =	vsel vm2, $0x4, v1  }
0xa4: {  	vm7 =	vmor vm7, vm14;
	v1 =	vsel vm0, $0x3, v1;
	vm0 =	veq.f32 v13, v21;
	v13 =	vld [tilespmem:$0x1FF40]  }
0xa5: {  	vm1 =	veq.f32 v14, v21;
	v4 =	vadd.s32 v11, v4;
	vm2 =	vne.f32 v12, v21;
	v11 =	vpop (erf)  }
0xa6: {  	v14 =	vld [tilespmem:$0x1FF50];
	v1 =	vsel vm1, $0x2, v1;
	vm1 =	veq.f32 v12, v21;
	v12 =	vmul.f32 v11, v20  }
0xa7: {  	v62 =	vsel vm7, $0x1, v0  }
0xa8: {  	vm2 =	vmand vm2, vm0;
	v1 =	vsel vm0, $0x1, v1;
	vm0 =	vgt.f32 v12, $0.0e+00  }
0xa9: {  	v1 =	vsel vm1, $0x0, v1;
	vm7 =	vnez.u8 v13;
	vm1 =	vmand vm1, vm0  }
0xaa: {  	v61 =	vsel vm5, $0x1, v0;
	vm1 =	vmor vm7, vm1  }
0xab: {  	vm2 =	vmand vm2, vm0;
	v13 =	vsel vm1, $0x1, v0;
	vm1 =	vnez.u8 v14  }
0xac: {  	v23 =	vsel vm3, $0x1, v0;
	v6 =	vadd.s32 v61, v6;
	vm1 =	vmor vm1, vm2  }
0xad: {  	v5 =	vadd.s32 v23, v5;
	v6 =	vadd.s32 v13, v6;
	v13 =	vsel vm1, $0x1, v0  }
0xae: {  	v5 =	vadd.s32 v13, v5;
	v13 =	vld [tilespmem:$0x1FF60];
	_ =	sdelay $0x1  }
0xaf: {  	(xrf0) =	vadd.scan.msk.s32 $0xffff, v6;
	v6 =	vld [tilespmem:$0x1FF70];
	_ =	sdelay $0x1  }
0xb0: {  	vm2 =	veq.s32 v1, $0x2  }
0xb1: {  	vm1 =	vmand vm0, vm2;
	vm7 =	vnez.u8 v13  }
0xb2: {  	(xrf0) =	vadd.scan.msk.s32 $0xffff, v5;
	v5 =	vld [tilespmem:$0x1FF80];
	vm1 =	vmor vm7, vm1  }
0xb3: {  	v3 =	vadd.s32 v63, v3;
	vm7 =	vnez.u8 v6;
	v6 =	vsel vm1, $0x1, v0  }
0xb4: {  	v3 =	vadd.s32 v6, v3  }
0xb5: {  	vm3 =	veq.s32 v1, $0x3;
	(xrf0) =	vadd.scan.msk.s32 $0xffff, v3;
	v3 =	vld [tilespmem:$0x1FF90]  }
0xb6: {  	vm6 =	veq.s32 v1, $0x4;
	vm3 =	vmand vm0, vm3  }
0xb7: {  	vm6 =	vmand vm0, vm6;
	vm3 =	vmor vm7, vm3;
	vm1 =	vnez.u8 v5  }
0xb8: {  	vm1 =	vmor vm1, vm6;
	v5 =	vsel vm3, $0x1, v0  }
0xb9: {  	[tilespmem:$0x1FFB0] =	vst v22;
	vm4 =	veq.s32 v1, $0x5;
	v5 =	vadd.s32 v5, v8;
	v6 =	vsel vm1, $0x1, v0  }
0xba: {  	vm3 =	vmand vm0, vm4;
	(xrf0) =	vadd.scan.msk.s32 $0xffff, v5;
	v5 =	vld [tilespmem:$0x1FFA0];
	vm4 =	vnez.u8 v3;
	v3 =	vadd.s32 v6, v7  }
0xbb: {  	(xrf0) =	vadd.scan.msk.s32 $0xffff, v3;
	v3 =	vld [tilespmem:$0x1FFB0];
	_ =	sdelay $0x1  }
0xbc: {  	vm5 =	veq.s32 v1, $0x6  }
0xbd: {  	vm2 =	veq.s32 v1, $0x7;
	vm1 =	vmand vm0, vm5  }
0xbe: {  	vm0 =	vmand vm0, vm2;
	vm3 =	vmor vm4, vm3;
	vm2 =	vnez.u8 v5  }
0xbf: {  	vm1 =	vmor vm2, vm1;
	v5 =	vsel vm3, $0x1, v0;
	vm2 =	vnez.u8 v3  }
0xc0: {  	v3 =	vsel vm1, $0x1, v0;
	vm0 =	vmor vm2, vm0  }
0xc1: {  	v2 =	vadd.s32 v62, v2;
	v3 =	vadd.s32 v3, v9;
	v0 =	vsel vm0, $0x1, v0  }
0xc2: {  	v4 =	vadd.s32 v5, v4;
	v5, _, _ =	vpop (xrf0);
	v0 =	vadd.s32 v0, v2  }
0xc3: {  	(xrf0) =	vadd.scan.msk.s32 $0xffff, v4;
	v6, _, _ =	vpop (xrf0)  }
0xc4: {  	v4 =	vbroadcast v6, $0xF;
	(xrf0) =	vadd.scan.msk.s32 $0xffff, v3;
	v2 =	vbroadcast v5, $0xF;
	v3, _, _ =	vpop (xrf0)  }
0xc5: {  	vm1 =	vcmask $0x704;
	vm0 =	vmmov $0x1;
	(xrf0) =	vadd.scan.msk.s32 $0xffff, v0;
	v3 =	vbroadcast v3, $0xF;
	v0, _, _ =	vpop (xrf0)  }
0xc6: {  	v4 =	vnsel vm1, $0x0, v4;
	v2 =	vnsel vm0, $0x0, v2;
	vm0 =	vcmask $0xB08;
	v5, _, _ =	vpop (xrf0)  }
0xc7: {  	v2 =	vadd.s32 v2, v4;
	v3 =	vnsel vm0, $0x0, v3;
	v4 =	vbroadcast v5, $0xF  }
0xc8: {  	v0 =	vbroadcast v0, $0xF  }
0xc9: {  	vm0 =	vcmask $0xF0C  }
0xca: {  	v2 =	vadd.s32 v3, v2;
	v0 =	vnsel vm0, $0x0, v0;
	vm0 =	vcmask $0x1310;
	v3, _, _ =	vpop (xrf0)  }
0xcb: {  	v0 =	vadd.s32 v0, v2;
	v2 =	vnsel vm0, $0x0, v4;
	v3 =	vbroadcast v3, $0xF;
	v4, _, _ =	vpop (xrf0)  }
0xcc: {  	s5 =	sadd.s32 $0x10, s5;
	vm0 =	vcmask $0x1714;
	v0 =	vadd.s32 v2, v0;
	v2 =	vbroadcast v4, $0xF;
	v4, _, _ =	vpop (xrf0)  }
0xcd: {  	[tilespmem:s5+$0x0] =	vst v11;
	v3 =	vnsel vm0, $0x0, v3;
	vm0 =	vcmask $0x1B18;
	v4 =	vbroadcast v4, $0xF  }
0xce: {  	[tilespmem:s8+$0x0] =	vst v12;
	v0 =	vadd.s32 v3, v0;
	v2 =	vnsel vm0, $0x0, v2;
	vm0 =	vcmask $0x1F1C  }
0xcf: {  	[tilespmem:s7+$0x0] =	vst v10;
	v0 =	vadd.s32 v2, v0;
	v2 =	vnsel vm0, $0x0, v4  }
0xd0: {  	s22 =	sshll.u32 s1, $0x4;
	s24 =	simm.s32 $0xA000;
	[tilespmem:s6+$0x0] =	vst v1;
	v0 =	vadd.s32 v2, v0  }
0xd1: {  	s25 =	simm.s32 $0x1;
	s23 =	sadd.s32 s4, s22;
	s5 =	simm.s32 $0x0;
	[tilespmem:$0xA000] =	vst v0  }
0xd2: {  	[hbm4b:s23+s5] =	stream.linear.scatter [tilespmem:s24], [sflag:$0x1], $0x80, $0x38;
	[tilespmem:$0xA880] =	vst v63  }
0xd3: {  	_ =	swait.ge [sflag:s25], $0x80  }
0xd4: {  	[sflag:s25] =	ssyncset.done $0x0  }
0xd5: {  	[sflag:s25] =	ssyncadd.s32 $0xFFFFFF80  }
0xd6: {  	s26 =	simm.s32 $0xA080;
	[bflag:$0x0] =	sbarrier.arrive $0xFFFF  }
0xd7: {  	[tilespmem:s26], [sflag:$0x1] =	stream.linear.gather [hbm4b:s4+s5], $0x800, $0x38;
	[tilespmem:$0xA880] =	vst v63  }
0xd8: {  	_ =	swait.ge [sflag:s25], $0x800  }
0xd9: {  	[sflag:s25] =	ssyncset.done $0x0  }
0xda: {  	[sflag:s25] =	ssyncadd.s32 $0xFFFFF800  }
0xdb: {  	v0 =	vld [tilespmem:$0xA080]  }
0xdc: {  	v1 =	vld [tilespmem:$0xA100]  }
0xdd: {  	v2 =	vld [tilespmem:$0xA180]  }
0xde: {  	v3 =	vld [tilespmem:$0xA200]  }
0xdf: {  	v4 =	vld [tilespmem:$0xA280]  }
0xe0: {  	p0 =	seq.s32 s1, $0x0;
	p1 =	sgt.u32 s1, $0x1;
	v5 =	vld [tilespmem:$0xA300]  }
0xe1: {  	p6 =	sgt.u32 s1, $0x2;
	v6 =	vld [tilespmem:$0xA380];
	v0 =	vpsel p0, $0x0, v0;
	v1 =	vpsel !p1, $0x0, v1  }
0xe2: {  	v2 =	vpsel !p6, $0x0, v2;
	p1 =	sgt.u32 s1, $0x3;
	v0 =	vadd.s32 v0, v1;
	v1 =	vld [tilespmem:$0xA400]  }
0xe3: {  	p2 =	sgt.u32 s1, $0x4;
	v3 =	vpsel !p1, $0x0, v3;
	v0 =	vadd.s32 v2, v0;
	v2 =	vld [tilespmem:$0xA480]  }
0xe4: {  	p3 =	sgt.u32 s1, $0x5;
	v4 =	vpsel !p2, $0x0, v4;
	v0 =	vadd.s32 v3, v0;
	v3 =	vld [tilespmem:$0xA500]  }
0xe5: {  	p4 =	sgt.u32 s1, $0x6;
	v5 =	vpsel !p3, $0x0, v5;
	v0 =	vadd.s32 v4, v0;
	v4 =	vld [tilespmem:$0xA580]  }
0xe6: {  	p5 =	sgt.u32 s1, $0x7;
	v6 =	vpsel !p4, $0x0, v6;
	v0 =	vadd.s32 v5, v0;
	v5 =	vld [tilespmem:$0xA600]  }
0xe7: {  	p6 =	sgt.u32 s1, $0x8;
	v1 =	vpsel !p5, $0x0, v1;
	v0 =	vadd.s32 v6, v0;
	v6 =	vld [tilespmem:$0xA680]  }
0xe8: {  	p1 =	sgt.u32 s1, $0x9;
	v2 =	vpsel !p6, $0x0, v2;
	v0 =	vadd.s32 v1, v0;
	v1 =	vld [tilespmem:$0xA700]  }
0xe9: {  	p2 =	sgt.u32 s1, $0xA;
	v3 =	vpsel !p1, $0x0, v3;
	v0 =	vadd.s32 v2, v0;
	v2 =	vld [tilespmem:$0xA780]  }
0xea: {  	p3 =	sgt.u32 s1, $0xB;
	v4 =	vpsel !p2, $0x0, v4;
	v0 =	vadd.s32 v3, v0  }
0xeb: {  	p4 =	sgt.u32 s1, $0xC;
	v3 =	vpsel !p3, $0x0, v5;
	v0 =	vadd.s32 v4, v0  }
0xec: {  	p5 =	sgt.u32 s1, $0xD;
	v4 =	vpsel !p4, $0x0, v6;
	v0 =	vadd.s32 v3, v0  }
0xed: {  	p6 =	seq.s32 s1, $0xF;
	v1 =	vpsel !p5, $0x0, v1;
	v0 =	vadd.s32 v4, v0  }
0xee: {  	v2 =	vpsel !p6, $0x0, v2;
	v0 =	vadd.s32 v1, v0  }
0xef: {  	v0 =	vadd.s32 v2, v0  }
0xf0: {  	s30 =	simm.s32 $0x9000;
	(v2sf) =	vpush v0, $0x0  }
0xf1: {  	v11 =	vld [tilespmem:s30+$0x0];
	(v2sf) =	vpush v0, $0x1  }
0xf2: {  	(v2sf) =	vpush v0, $0x2  }
0xf3: {  	s28 =	simm.s32 $0x9800;
	(v2sf) =	vpush v0, $0x3  }
0xf4: {  	v6 =	vld [tilespmem:s28+$0x0];
	(v2sf) =	vpush v0, $0x4  }
0xf5: {  	(v2sf) =	vpush v0, $0x5  }
0xf6: {  	s29 =	simm.s32 $0x8800;
	vm2 =	veq.s32 v11, $0x3;
	(v2sf) =	vpush v0, $0x6  }
0xf7: {  	vm13 =	veq.s32 v11, $0x6;
	vm15 =	veq.s32 v11, $0x5;
	(v2sf) =	vpush v0, $0x7;
	v0 =	vld [tilespmem:s29+$0x0]  }
0xf8: {  	v4 =	vimm.s32 $0x0;
	v1 =	vimm.s32 $0x0;
	v2 =	vimm.s32 $0x0  }
0xf9: {  	vm3 =	veq.s32 v6, $0x0;
	vm4 =	veq.s32 v6, $0x1;
	vm0 =	veq.s32 v6, $0x4  }
0xfa: {  	vm12 =	veq.s32 v6, $0x5;
	vm1 =	veq.s32 v6, $0x3;
	v2 =	vsel vm0, $0xFFFFFFFF, v2  }
0xfb: {  	vm9 =	veq.s32 v6, $0x6;
	vm10 =	veq.s32 v6, $0x7;
	v4 =	vsel vm1, $0xFFFFFFFF, v4;
	[tilespmem:$0x1FFC0] =	vst v2  }
0xfc: {  	v2 =	vimm.s32 $0x0;
	[tilespmem:$0x1FFE0] =	vst v4;
	v4 =	vimm.s32 $0x0;
	vm5 =	vgt.f32 v0, $0.0e+00  }
0xfd: {  	v3 =	vnsel vm4, $0x0, v0;
	v5 =	vnsel vm10, $0x0, v0;
	v10 =	vnsel vm9, $0x0, v0  }
0xfe: {  	vm0 =	vmand vm5, vm0;
	vm8 =	vmand vm5, vm9;
	vm11 =	vmand vm5, vm3  }
0xff: {  	s15 =	simm.s32 $0x8000;
	vm4 =	vmand vm5, vm4;
	vm14 =	vmand vm5, vm12;
	v2 =	vsel vm0, $0xFFFFFFFF, v2  }
0x100: {  	vm9 =	veq.s32 v11, $0x0;
	vm0 =	vmand vm5, vm1;
	vm1 =	veq.s32 v11, $0x1;
	[tilespmem:$0x1FFD0] =	vst v2;
	v2 =	vld [tilespmem:s15+$0x0]  }
0x101: {  	vm6 =	vmor vm15, vm14;
	v4 =	vsel vm0, $0xFFFFFFFF, v4;
	vm0 =	vmand vm5, vm10  }
0x102: {  	vm4 =	vmor vm1, vm4;
	[tilespmem:$0x1FFF0] =	vst v4;
	v4 =	vnsel vm3, $0x0, v0;
	vm3 =	veq.s32 v6, $0x2  }
0x103: {  	vm10 =	vmand vm5, vm3;
	v6 =	vnsel vm3, $0x0, v0;
	vm3 =	veq.s32 v11, $0x2  }
0x104: {  	vm14 =	veq.s32 v11, $0x7;
	v12 =	vsel vm4, $0x1, v1;
	vm5 =	vmor vm3, vm10  }
0x105: {  	s7 =	spop (v2sf);
	(xrf0) =	vadd.scan.msk.s32 $0xffff, v12;
	v8 =	vnsel vm15, $0x0, v2;
	vm15 =	veq.s32 v11, $0x4;
	v11 =	vsel vm5, $0x1, v1  }
0x106: {  	s9 =	spop (v2sf);
	(xrf0) =	vadd.scan.msk.s32 $0xffff, v11;
	v11 =	vld [tilespmem:$0x1FFF0]  }
0x107: {  	s11 =	spop (v2sf)  }
0x108: {  	s17 =	simm.s32 $0x10;
	s18 =	simm.s32 $0x8810;
	vm7 =	vmor vm13, vm8;
	s4 =	spop (v2sf)  }
0x109: {  	s19 =	simm.s32 $0x9010;
	s20 =	simm.s32 $0x9810;
	v13 =	vsel vm7, $0x1, v1;
	vm8 =	vmor vm14, vm0;
	s10 =	spop (v2sf)  }
0x10a: {  	s21 =	simm.s32 $0x0;
	s31 =	sand.u32 $0x7, s5;
	v12 =	vsel vm6, $0x1, v1;
	vm10 =	vmmov vm4;
	s12 =	spop (v2sf);
	v7 =	vnsel vm13, $0x0, v2  }
0x10b: {  	s16 =	simm.s32 $0x0;
	s6 =	sshll.u32 s31, $0x4;
	vm13 =	vmmov vm1;
	v9 =	vnsel vm3, $0x0, v2;
	s13 =	spop (v2sf);
	vm0 =	vnez.u8 v11  }
0x10c: {  	s14 =	sand.u32 $0x3C00, s5;
	s6 =	sadd.s32 $0x0, s6;
	vm1 =	vmor vm9, vm11;
	s8 =	spop (v2sf);
	(xrf0) =	vadd.scan.msk.s32 $0xffff, v13;
	v11 =	vsel vm8, $0x1, v1;
	vm4 =	vmor vm2, vm0  }
.LBB2_3:
0x10d: {  	v13 =	vld [tilespmem:$0x1FFD0]  }
0x10e: {  	v15 =	vld [tilespmem:$0x1FFC0];
	_ =	sdelay $0x3  }
0x10f: {  	vm0 =	vnez.u8 v13  }
0x110: {  	(xrf0) =	vadd.scan.msk.s32 $0xffff, v12;
	v19 =	vsel vm1, $0x1, v1;
	vm11 =	vmor vm15, vm0;
	vm0 =	vnez.u8 v15  }
0x111: {  	(xrf0) =	vadd.scan.msk.s32 $0xffff, v19;
	v15 =	vnsel vm0, $0x0, v0  }
0x112: {  	v14 =	vnsel vm12, $0x0, v0;
	v16 =	vnsel vm14, $0x0, v2;
	v17 =	vnsel vm9, $0x0, v2  }
0x113: {  	v12, _, _ =	vpop (xrf0);
	v6 =	vadd.f32 v6, v9;
	v7 =	vadd.f32 v10, v7;
	v13 =	vnsel vm15, $0x0, v2  }
0x114: {  	v18 =	vnsel vm13, $0x0, v2;
	v5 =	vadd.f32 v5, v16;
	v13 =	vadd.f32 v15, v13;
	v15, _, _ =	vpop (xrf0)  }
0x115: {  	v60 =	vsel vm4, $0x1, v1;
	(v2sf) =	vpush v12, $0xF;
	v8 =	vadd.f32 v14, v8;
	v14, _, _ =	vpop (xrf0)  }
0x116: {  	v4 =	vadd.f32 v4, v17;
	v61 =	vsel vm11, $0x1, v1;
	v62 =	vadd.s32 s11, v15;
	v9, _, _ =	vpop (xrf0)  }
0x117: {  	v2 =	vnsel vm2, $0x0, v2;
	(xrf0) =	vadd.scan.msk.s32 $0xffff, v61;
	(v2sf) =	vpush v15, $0xF;
	vm0 =	vlt.s32 v62, $0x2001;
	v63, _, _ =	vpop (xrf0)  }
0x118: {  	v10 =	vadd.s32 s12, v9;
	(v2sf) =	vpush v9, $0xF;
	v9 =	vadd.s32 s7, v63  }
0x119: {  	(xrf0) =	vadd.scan.msk.s32 $0xffff, v60;
	vm0 =	vmand vm5, vm0;
	vm2 =	vlt.s32 v9, $0x2001;
	v9 =	vadd.s32 s9, v12  }
0x11a: {  	v15 =	vadd.s32 s13, v14;
	(xrf0) =	vadd.scan.msk.s32 $0xffff, v11;
	v6 =	vnsel vm0, $0x0, v6;
	vm3 =	vlt.s32 v9, $0x2001;
	v9 =	vld [tilespmem:$0x1FFE0]  }
0x11b: {  	s25 =	sand.u32 $0x70, s16;
	v3 =	vadd.f32 v3, v18;
	vm0 =	vlt.s32 v15, $0x2001;
	vm2 =	vmand vm1, vm2  }
0x11c: {  	s29 =	sor.u32 s25, s14;
	(v2sf) =	vpush v14, $0xF;
	v4 =	vnsel vm2, $0x0, v4;
	vm2 =	vmand vm10, vm3  }
0x11d: {  	[tilespmem:s29+$0x4100] =	vst v6;
	(v2sf) =	vpush v63, $0xF;
	vm0 =	vmand vm7, vm0;
	v6, _, _ =	vpop (xrf0);
	v11 =	vnsel vm2, $0x0, v3  }
0x11e: {  	[tilespmem:s29+$0x4000] =	vst v4;
	v4 =	vnsel vm0, $0x0, v7;
	vm0 =	vlt.s32 v10, $0x2001;
	v7 =	vadd.s32 s10, v6  }
0x11f: {  	vm0 =	vmand vm6, vm0;
	vm2 =	vlt.s32 v7, $0x2001;
	vm1 =	vnez.u8 v9;
	v9, _, _ =	vpop (xrf0)  }
0x120: {  	v7 =	vnsel vm0, $0x0, v8;
	vm0 =	vmand vm11, vm2;
	(v2sf) =	vpush v9, $0xF;
	v3, _, _ =	vpop (xrf0)  }
0x121: {  	[tilespmem:s29+$0x4300] =	vst v4;
	v0 =	vnsel vm1, $0x0, v0;
	v4 =	vadd.s32 s4, v9;
	(v2sf) =	vpush v3, $0xF  }
0x122: {  	[tilespmem:s29+$0x4080] =	vst v11;
	v3 =	vadd.s32 s8, v3;
	vm2 =	vlt.s32 v4, $0x2001;
	v0 =	vadd.f32 v0, v2  }
0x123: {  	s5 =	sadd.s32 $0x80, s5;
	[tilespmem:s29+$0x4280] =	vst v7;
	v2 =	vnsel vm0, $0x0, v13;
	vm0 =	vmand vm4, vm2;
	vm2 =	vlt.s32 v3, $0x2001  }
0x124: {  	s24 =	sand.u32 $0x3C00, s5;
	[tilespmem:s29+$0x4200] =	vst v2;
	v0 =	vnsel vm0, $0x0, v0;
	vm0 =	vmand vm8, vm2  }
0x125: {  	s14 =	smov.u32 s24;
	s24 =	sor.u32 $0x380, s6;
	[tilespmem:s29+$0x4180] =	vst v0;
	v0 =	vnsel vm0, $0x0, v5  }
0x126: {  	[tilespmem:s24+$0x4000] =	vst v0  }
0x127: {  	v4 =	vld [tilespmem:s20+$0x0]  }
0x128: {  	v0 =	vld [tilespmem:s18+$0x0];
	_ =	sdelay $0x1  }
0x129: {  	(v2sf) =	vpush v6, $0xF;
	v6 =	vld [tilespmem:s19+$0x0];
	_ =	sdelay $0x1  }
0x12a: {  	v3 =	vimm.s32 $0x0;
	v5 =	vimm.s32 $0x0;
	vm11 =	veq.s32 v4, $0x0  }
0x12b: {  	vm4 =	veq.s32 v4, $0x1;
	vm7 =	veq.s32 v4, $0x5;
	vm5 =	vgt.f32 v0, $0.0e+00  }
0x12c: {  	vm1 =	veq.s32 v4, $0x3;
	vm0 =	veq.s32 v4, $0x4;
	vm8 =	veq.s32 v4, $0x7  }
0x12d: {  	vm13 =	veq.s32 v6, $0x1;
	vm9 =	veq.s32 v6, $0x5;
	v3 =	vsel vm7, $0xFFFFFFFF, v3  }
0x12e: {  	v5 =	vsel vm0, $0xFFFFFFFF, v5;
	vm0 =	vmand vm5, vm0;
	[tilespmem:$0x1FF00] =	vst v3;
	v3 =	vimm.s32 $0x0  }
0x12f: {  	vm12 =	vmand vm5, vm1;
	[tilespmem:$0x1FFC0] =	vst v5;
	v5 =	vimm.s32 $0x0;
	v3 =	vsel vm1, $0xFFFFFFFF, v3  }
0x130: {  	vm6 =	vmand vm5, vm11;
	vm7 =	vmand vm5, vm7;
	v5 =	vsel vm0, $0xFFFFFFFF, v5;
	[tilespmem:$0x1FFE0] =	vst v3  }
0x131: {  	vm0 =	veq.s32 v4, $0x6;
	v3 =	vnsel vm4, $0x0, v0;
	[tilespmem:$0x1FFD0] =	vst v5;
	v5 =	vimm.s32 $0x0  }
0x132: {  	s15 =	sadd.s32 $0x10, s15;
	vm4 =	vmand vm5, vm4;
	v5 =	vsel vm0, $0xFFFFFFFF, v5;
	vm0 =	vmand vm5, vm0  }
0x133: {  	v2 =	vld [tilespmem:s15+$0x0];
	vm10 =	vmor vm13, vm4;
	vm4 =	veq.s32 v6, $0x2;
	[tilespmem:$0x1FF10] =	vst v5;
	v5 =	vimm.s32 $0x0  }
0x134: {  	v10 =	vld [tilespmem:$0x1FF00];
	v7 =	vsel vm10, $0x1, v1;
	v5 =	vsel vm0, $0xFFFFFFFF, v5;
	vm0 =	veq.s32 v6, $0x0  }
0x135: {  	vm1 =	vmor vm0, vm6;
	vm6 =	vmor vm9, vm7;
	vm7 =	veq.s32 v4, $0x2  }
0x136: {  	s21 =	sadd.s32 $0x1, s21;
	s23 =	smov.u32 s17;
	[tilespmem:$0x1FEF0] =	vst v5;
	v5 =	vnsel vm8, $0x0, v0;
	vm8 =	vmand vm5, vm8;
	vm5 =	vmand vm5, vm7  }
0x137: {  	p0 =	sne.s32 s17, $0x7F0;
	s22 =	sand.u32 $0x7, s21;
	s30 =	spop (v2sf);
	vm2 =	veq.s32 v6, $0x3;
	(xrf0) =	vadd.scan.msk.s32 $0xffff, v7;
	v7 =	vld [tilespmem:$0x1FEF0];
	vm5 =	vmor vm4, vm5  }
0x138: {  	s17 =	sadd.s32 $0x10, s17;
	s22 =	sshll.u32 s22, $0x4;
	s31 =	spop (v2sf);
	vm12 =	vmor vm2, vm12;
	v9 =	vsel vm5, $0x1, v1  }
0x139: {  	s16 =	smov.u32 s23;
	s22 =	sadd.s32 s22, s5;
	s25 =	spop (v2sf);
	(xrf0) =	vadd.scan.msk.s32 $0xffff, v9;
	v9 =	vnsel vm4, $0x0, v2;
	vm4 =	vmmov vm12;
	vm12 =	vnez.u8 v10;
	v10 =	vld [tilespmem:$0x1FF10]  }
0x13a: {  	s6 =	smov.u32 s22;
	s9 =	sadd.s32 s9, s30;
	s26 =	spop (v2sf);
	vm3 =	veq.s32 v6, $0x6  }
.Ltmp1:
0x13b: {  	s11 =	sadd.s32 s11, s31;
	s28 =	spop (v2sf);
	vm14 =	veq.s32 v6, $0x7;
	vm15 =	veq.s32 v6, $0x4;
	v8 =	vnsel vm9, $0x0, v2;
	(pc) =	sbr.rel @p0 .LBB2_3-.Ltmp1, $4  }
0x13c: {  	s18 =	sadd.s32 $0x10, s18;
	s19 =	sadd.s32 $0x10, s19;
	s29 =	spop (v2sf);
	v4 =	vnsel vm11, $0x0, v0;
	v6 =	vnsel vm7, $0x0, v0;
	vm7 =	vnez.u8 v7  }
0x13d: {  	s20 =	sadd.s32 $0x10, s20;
	s12 =	sadd.s32 s12, s25;
	s30 =	spop (v2sf);
	vm9 =	vmmov vm0;
	v12 =	vsel vm6, $0x1, v1;
	vm7 =	vmor vm3, vm7  }
0x13e: {  	s13 =	sadd.s32 s13, s26;
	s7 =	sadd.s32 s7, s28;
	s31 =	spop (v2sf);
	vm8 =	vmor vm14, vm8;
	v13 =	vsel vm7, $0x1, v1;
	vm0 =	vnez.u8 v10  }
0x13f: {  	s4 =	sadd.s32 s4, s29;
	s8 =	sadd.s32 s8, s30;
	s10 =	sadd.s32 s10, s31;
	v11 =	vsel vm8, $0x1, v1;
	v7 =	vnsel vm3, $0x0, v2;
	(xrf0) =	vadd.scan.msk.s32 $0xffff, v13;
	v10 =	vnsel vm0, $0x0, v0  }
0x140: {  	v13 =	vld [tilespmem:$0x1FFD0];
	_ =	sdelay $0x4  }
0x141: {  	(xrf0) =	vadd.scan.msk.s32 $0xffff, v12;
	v39 =	vsel vm1, $0x1, v1;
	v41 =	vsel vm4, $0x1, v1;
	vm0 =	vnez.u8 v13  }
0x142: {  	v15 =	vnsel vm15, $0x0, v2;
	v16 =	vnsel vm14, $0x0, v2;
	vm11 =	vmor vm15, vm0  }
0x143: {  	v18 =	vnsel vm13, $0x0, v2;
	v19 =	vld [tilespmem:$0x1FFC0];
	v48 =	vnsel vm12, $0x0, v0;
	(xrf0) =	vadd.scan.msk.s32 $0xffff, v39;
	v40 =	vsel vm11, $0x1, v1  }
0x144: {  	v42, _, _ =	vpop (xrf0);
	v6 =	vadd.f32 v6, v9;
	v49 =	vnsel vm9, $0x0, v2;
	v51 =	vadd.f32 v10, v7;
	(xrf0) =	vadd.scan.msk.s32 $0xffff, v40  }
0x145: {  	v50 =	vnsel vm2, $0x0, v2;
	v43, _, _ =	vpop (xrf0);
	(v2sf) =	vpush v42, $0xF;
	v5 =	vadd.f32 v5, v16;
	(xrf0) =	vadd.scan.msk.s32 $0xffff, v41  }
0x146: {  	v3 =	vadd.f32 v3, v18;
	v8 =	vadd.f32 v48, v8;
	v55 =	vadd.s32 s9, v42;
	v44, _, _ =	vpop (xrf0);
	(xrf0) =	vadd.scan.msk.s32 $0xffff, v11  }
0x147: {  	v4 =	vadd.f32 v4, v49;
	(v2sf) =	vpush v43, $0xF;
	vm3 =	vlt.s32 v55, $0x2001;
	v45, _, _ =	vpop (xrf0)  }
0x148: {  	vm15 =	vnez.u8 v19;
	v53 =	vadd.s32 s13, v44;
	(v2sf) =	vpush v45, $0xF  }
0x149: {  	v56 =	vld [tilespmem:$0x1FFE0];
	v14, _, _ =	vpop (xrf0);
	v19 =	vnsel vm15, $0x0, v0;
	v1 =	vadd.s32 s11, v43;
	v52 =	vadd.s32 s12, v45  }
0x14a: {  	vm13 =	vlt.s32 v53, $0x2001;
	vm15 =	vmand vm10, vm3;
	(v2sf) =	vpush v44, $0xF;
	v17, _, _ =	vpop (xrf0)  }
0x14b: {  	v15 =	vadd.f32 v19, v15;
	vm12 =	vlt.s32 v1, $0x2001;
	(v2sf) =	vpush v14, $0xF;
	v46, _, _ =	vpop (xrf0)  }
0x14c: {  	v54 =	vadd.s32 s7, v14;
	v3 =	vnsel vm15, $0x0, v3;
	(v2sf) =	vpush v46, $0xF;
	v47, _, _ =	vpop (xrf0)  }
0x14d: {  	vm0 =	vmand vm5, vm12;
	vm14 =	vlt.s32 v54, $0x2001;
	(v2sf) =	vpush v47, $0xF  }
0x14e: {  	s5 =	sand.u32 $0x70, s16;
	vm5 =	vnez.u8 v56;
	v6 =	vnsel vm0, $0x0, v6;
	(v2sf) =	vpush v17, $0xF  }
0x14f: {  	s5 =	sor.u32 s5, s14;
	vm2 =	vmand vm1, vm14;
	vm0 =	vmand vm7, vm13;
	v57 =	vnsel vm5, $0x0, v0  }
0x150: {  	[tilespmem:s5+$0x4080] =	vst v3;
	vm7 =	vlt.s32 v52, $0x2001;
	v4 =	vnsel vm2, $0x0, v4;
	v1 =	vnsel vm0, $0x0, v51  }
0x151: {  	[tilespmem:s5+$0x4100] =	vst v6;
	vm9 =	vmand vm6, vm7;
	v0 =	vadd.f32 v57, v50;
	v58 =	vadd.s32 s10, v17  }
0x152: {  	[tilespmem:s5+$0x4000] =	vst v4;
	v59 =	vnsel vm9, $0x0, v8;
	vm10 =	vlt.s32 v58, $0x2001;
	v60 =	vadd.s32 s4, v46  }
0x153: {  	[tilespmem:s5+$0x4300] =	vst v1;
	vm11 =	vmand vm11, vm10;
	v61 =	vadd.s32 s8, v47;
	vm12 =	vlt.s32 v60, $0x2001  }
0x154: {  	[tilespmem:s5+$0x4280] =	vst v59;
	v62 =	vnsel vm11, $0x0, v15;
	vm13 =	vmand vm4, vm12;
	vm14 =	vlt.s32 v61, $0x2001  }
0x155: {  	s21 =	spop (v2sf);
	[tilespmem:s5+$0x4200] =	vst v62;
	v0 =	vnsel vm13, $0x0, v0;
	vm15 =	vmand vm8, vm14  }
0x156: {  	s2 =	sadd.s32 s3, s2;
	s4 =	sor.u32 $0x380, s6;
	s22 =	spop (v2sf);
	[tilespmem:s5+$0x4180] =	vst v0;
	v63 =	vnsel vm15, $0x0, v5  }
0x157: {  	s29 =	simm.s32 $0x0;
	s30 =	simm.s32 $0x4000;
	[tilespmem:s4+$0x4000] =	vst v63;
	s23 =	spop (v2sf)  }
0x158: {  	[hbm4b:s2+s29] =	stream.linear.scatter [tilespmem:s30], [sflag:$0x1], $0x4000, $0x38;
	[tilespmem:$0xA880] =	vst v63  }
0x159: {  	s24 =	spop (v2sf)  }
0x15a: {  	s25 =	spop (v2sf)  }
0x15b: {  	s26 =	spop (v2sf)  }
0x15c: {  	s28 =	spop (v2sf)  }
0x15d: {  	s2 =	simm.s32 $0x1;
	s31 =	spop (v2sf)  }
0x15e: {  	_ =	swait.ge [sflag:s2], $0x4000  }
0x15f: {  	[sflag:s2] =	ssyncset.done $0x0  }
0x160: {  	[sflag:s2] =	ssyncadd.s32 $0xFFFFC000  }
0x161: {  	_ =	sfence.sel $0x180000  }
0x162: {  	[bflag:$0x0] =	sbarrier.arrive $0xFFFF  }
0x163: {  	p0 =	sne.s32 s1, $0x0;
	_ =	strace $0x90000047  }
0x164: {  	s0 =	sadd.s32 @!p0 $0x100000, s0;
	[bflag:$0x2] =	sbarrier.arrive $0xFFFF  }
0x165: {  	[sflag:s0] =	ssyncadd.tile.s32 @!p0 $0x1;
	_ =	shalt  }
.Lfunc_end2:
_tile_overlayer_lowered:
.L_overlay_start_2:
0x166: {  	(tag) =	ssettag $0x2  }
0x167: {  	s0 =	rddreg [dreg:$0x0];
	s2 =	stileid.u32  }
0x168: {  	s1 =	rddreg [dreg:$0x1];
	p0 =	sne.s32 s2, $0x0  }
0x169: {  	s3 =	rddreg [dreg:$0x2];
	[bflag:$0x3] =	sbarrier.arrive $0xFFFF;
	s2 =	simm.s32 @!p0 $0x1C01  }
0x16a: {  	[timem:s3], [sflag:s2] =	dma.local @!p0 [hbm:s0], s1  }
0x16b: {  	s0 =	simm.s32 @!p0 $0x1  }
0x16c: {  	_ =	swait.ge @!p0 [sflag:s0], s1  }
0x16d: {  	s1 =	ssub.s32 @!p0 $0x0, s1;
	[sflag:s0] =	ssyncset.done @!p0 $0x0  }
0x16e: {  	[sflag:s0] =	ssyncadd.s32 @!p0 s1  }
0x16f: {  	[bflag:$0x3] =	sbarrier.arrive $0xFFFF  }
0x170: {  	_ =	shalt  }

</sc_bundles>
